<compile_context>
chip_gen: v7x
topology: tpu7x:2x2x1
jax: 0.10.2.dev20260603
libtpu: 0.0.44.dev20260713+nightly
codegen_flags: <defaults>
</compile_context>

<pallas_src>
import functools

import jax
import jax.numpy as jnp
from jax import lax
from jax.experimental import pallas as pl
from jax.experimental.pallas import tpu as pltpu
from jax.experimental.pallas import tpu_sc as plsc



def _topk_body(K, N, cq_ref, ck_ref, idx_ref):
    b = pl.program_id(0)
    cq = cq_ref[0]
    ck = ck_ref[0]
    sqq = jnp.sum(cq * cq, axis=1, keepdims=True)
    sqk = jnp.sum(ck * ck, axis=0, keepdims=True)
    d2 = sqq + sqk - 2.0 * jnp.dot(cq, ck, preferred_element_type=jnp.float32)
    d2 = jnp.maximum(d2, 0.0)
    Q = d2.shape[0]
    col = lax.broadcasted_iota(jnp.int32, (Q, N), 1).astype(jnp.float32)
    big = jnp.float32(3.4e38)
    fn = jnp.float32(N)
    js = []
    for _ in range(K):
        m = jnp.min(d2, axis=1, keepdims=True)
        cand = jnp.where(d2 == m, col, fn)
        j = jnp.min(cand, axis=1, keepdims=True)
        js.append(j)
        d2 = jnp.where(col == j, big, d2)
    idx = jnp.concatenate(js, axis=1).astype(jnp.int32)
    idx_ref[0] = idx + b * N


def _topk(coords_pad, coords_t, K, Q):
    B, N, _ = coords_pad.shape
    grid = (B, N // Q)
    return pl.pallas_call(
        functools.partial(_topk_body, K, N),
        grid=grid,
        in_specs=[
            pl.BlockSpec((1, Q, 8), lambda b, i: (b, i, 0)),
            pl.BlockSpec((1, 8, N), lambda b, i: (b, 0, 0)),
        ],
        out_specs=pl.BlockSpec((1, Q, K), lambda b, i: (b, i, 0)),
        out_shape=jax.ShapeDtypeStruct((B, N, K), jnp.int32),
    )(coords_pad, coords_t)



def _sc_gather(table, gidx):
    info = plsc.get_sparse_core_info()
    NC, NS = info.num_cores, info.num_subcores
    NW = NC * NS
    _, C, _ = gidx.shape
    rows_per_w = C * 128
    R = NW * rows_per_w
    mesh = plsc.VectorSubcoreMesh(core_axis_name="c", subcore_axis_name="s")

    @functools.partial(
        pl.kernel,
        mesh=mesh,
        compiler_params=pltpu.CompilerParams(use_tc_tiling_on_sc=False),
        out_type=jax.ShapeDtypeStruct((R, 16), jnp.float32),
        scratch_types=[
            pltpu.VMEM((C, 128), jnp.int32),
            pltpu.VMEM((rows_per_w, 16), jnp.float32),
            pltpu.SemaphoreType.DMA,
        ],
    )
    def k2(table_hbm, idx_hbm, out_hbm, idx_v, rows_v, sem):
        wid = lax.axis_index("s") * NC + lax.axis_index("c")
        pltpu.sync_copy(idx_hbm.at[wid], idx_v)

        def chunk(c, carry):
            pltpu.async_copy(
                table_hbm.at[idx_v.at[c]],
                rows_v.at[pl.ds(c * 128, 128)],
                sem,
            ).wait()
            return carry

        lax.fori_loop(0, C, chunk, 0)
        pltpu.sync_copy(rows_v, out_hbm.at[pl.ds(wid * rows_per_w, rows_per_w)])

    return k2(table, gidx)



def _ln(h, g, b, eps=1e-5):
    mu = jnp.mean(h, axis=-1, keepdims=True)
    var = jnp.mean((h - mu) ** 2, axis=-1, keepdims=True)
    return (h - mu) / jnp.sqrt(var + eps) * g + b


def _safe_atan2(y, x):
    both_zero = (jnp.abs(x) < 1e-9) & (jnp.abs(y) < 1e-9)
    x_safe = jnp.where(both_zero, 1.0, x)
    y_safe = jnp.where(both_zero, 0.0, y)
    return jnp.arctan2(y_safe, x_safe)


def _mlp_body(K, nbr_ref, ctr_ref,
              w1_ref, b1_ref, g1_ref, be1_ref,
              w2_ref, b2_ref, g2_ref, be2_ref,
              w3_ref, b3_ref, g3_ref, be3_ref,
              wa1_ref, ba1_ref, ga1_ref, bea1_ref,
              wa2_ref, ba2_ref, out_ref):
    nb = nbr_ref[...]
    ctr = ctr_ref[...]
    RT = nb.shape[0]
    PT = ctr.shape[0]

    ctr_rows = jnp.broadcast_to(ctr[:, None, :], (PT, K, 16)).reshape(RT, 16)

    rel = nb - ctr_rows
    ones = jnp.ones((16, 8), jnp.float32)
    d2 = jnp.dot(rel * rel, ones, preferred_element_type=jnp.float32,
                 precision=jax.lax.Precision.HIGHEST)[:, :1]
    dist = jnp.sqrt(d2 + 1e-12)
    reln = rel / (dist + 1e-6)

    rel3 = rel[:, :3]
    reln3 = reln[:, :3]
    nx, ny, nz = reln[:, 0:1], reln[:, 1:2], reln[:, 2:3]
    ypack = jnp.concatenate([ny, nz, nz], axis=1)
    xpack = jnp.concatenate([nx, nx, ny], axis=1)
    ang = _safe_atan2(ypack, xpack)

    zeros6 = jnp.zeros((RT, 6), jnp.float32)
    feat = jnp.concatenate([dist, rel3, ang, reln3, zeros6], axis=1)

    h = jnp.dot(feat, w1_ref[...], preferred_element_type=jnp.float32)
    h = jnp.maximum(_ln(h + b1_ref[...], g1_ref[...], be1_ref[...]), 0.0)
    h = jnp.dot(h, w2_ref[...], preferred_element_type=jnp.float32)
    h = jnp.maximum(_ln(h + b2_ref[...], g2_ref[...], be2_ref[...]), 0.0)
    h = jnp.dot(h, w3_ref[...], preferred_element_type=jnp.float32)
    h = _ln(h + b3_ref[...], g3_ref[...], be3_ref[...])

    agg = jnp.mean(h.reshape(PT, K, 128), axis=1)

    a = jnp.dot(agg, wa1_ref[...], preferred_element_type=jnp.float32)
    a = jnp.maximum(_ln(a + ba1_ref[...], ga1_ref[...], bea1_ref[...]), 0.0)
    out_ref[...] = (jnp.dot(a, wa2_ref[...], preferred_element_type=jnp.float32)
                    + ba2_ref[...])


def _mlp(nbr, table, K, PT, weights):
    (W1p, b1, g1, be1, W2, b2, g2, be2, W3, b3, g3, be3,
     Wa1, ba1, ga1, bea1, Wa2, ba2) = weights
    BN = table.shape[0]
    RT = PT * K
    grid = (BN // PT,)

    def full(a):
        return pl.BlockSpec(a.shape, lambda i: (0,) * a.ndim)

    return pl.pallas_call(
        functools.partial(_mlp_body, K),
        grid=grid,
        in_specs=[
            pl.BlockSpec((RT, 16), lambda i: (i, 0)),
            pl.BlockSpec((PT, 16), lambda i: (i, 0)),
            full(W1p), full(b1), full(g1), full(be1),
            full(W2), full(b2), full(g2), full(be2),
            full(W3), full(b3), full(g3), full(be3),
            full(Wa1), full(ba1), full(ga1), full(bea1),
            full(Wa2), full(ba2),
        ],
        out_specs=pl.BlockSpec((PT, 128), lambda i: (i, 0)),
        out_shape=jax.ShapeDtypeStruct((BN, 128), jnp.float32),
    )(nbr, table, W1p, b1, g1, be1, W2, b2, g2, be2, W3, b3, g3, be3,
      Wa1, ba1, ga1, bea1, Wa2, ba2)



def kernel(coordinates, W1, b1, g1, be1, W2, b2, g2, be2, W3, b3, g3, be3,
           Wa1, ba1, ga1, bea1, Wa2, ba2):
    K = 16
    B, N, _ = coordinates.shape
    D = W3.shape[1]
    Q = 256 if N % 256 == 0 else N

    cpad = jnp.pad(coordinates, ((0, 0), (0, 0), (0, 5)))
    ct = jnp.transpose(cpad, (0, 2, 1))
    table = jnp.pad(coordinates.reshape(B * N, 3), ((0, 0), (0, 13)))
    NW = 32

    W1p = jnp.pad(W1, ((0, 6), (0, 0)))
    weights = (W1p, b1.reshape(1, -1), g1.reshape(1, -1), be1.reshape(1, -1),
               W2, b2.reshape(1, -1), g2.reshape(1, -1), be2.reshape(1, -1),
               W3, b3.reshape(1, -1), g3.reshape(1, -1), be3.reshape(1, -1),
               Wa1, ba1.reshape(1, -1), ga1.reshape(1, -1), bea1.reshape(1, -1),
               Wa2, ba2.reshape(1, -1))

    idxs = [_topk(cpad[b:b + 1], ct[b:b + 1], K, Q) for b in range(B)]
    nbrs = [_sc_gather(table, (idxs[b] + b * N).reshape(
        NW, (N * K) // (NW * 128), 128)) for b in range(B)]
    outs = [_mlp(nbrs[b], table[b * N:(b + 1) * N], K, 64, weights)
            for b in range(B)]
    return jnp.stack(outs).reshape(B, N, D)

# --- scband reference (transcript-rebuilt; emitter-appended) ---
"""Pipeline reference for scband-spatial-context-module-48679159333094 (READ-ONLY COPY).

The authoritative reference and input builder live on the scoring server;
editing this copy changes nothing except your own understanding.
"""

import jax, jax.numpy as jnp
import numpy as np


def _layernorm(x, g, b, eps=1e-5):
    mu = jnp.mean(x, axis=-1, keepdims=True)
    var = jnp.mean((x - mu) ** 2, axis=-1, keepdims=True)
    return (x - mu) / jnp.sqrt(var + eps) * g + b


def _safe_atan2(y, x):
    both_zero = (jnp.abs(x) < 1e-9) & (jnp.abs(y) < 1e-9)
    x_safe = jnp.where(both_zero, 1.0, x)
    y_safe = jnp.where(both_zero, 0.0, y)
    return jnp.arctan2(y_safe, x_safe)


def setup_inputs(seed: int = 0) -> dict:
    key = jax.random.key(seed)
    ks = jax.random.split(key, 8)
    B, N, D = 2, 4096, 128
    coordinates = jax.random.uniform(ks[0], (B, N, 3), dtype=jnp.float32)
    s = 0.02
    inp = {
        'coordinates': coordinates,
        'W1': jax.random.normal(ks[1], (10, D // 4), dtype=jnp.float32) * s,
        'b1': jnp.zeros((D // 4,), jnp.float32),
        'g1': jnp.ones((D // 4,), jnp.float32),
        'be1': jnp.zeros((D // 4,), jnp.float32),
        'W2': jax.random.normal(ks[2], (D // 4, D // 2), dtype=jnp.float32) * s,
        'b2': jnp.zeros((D // 2,), jnp.float32),
        'g2': jnp.ones((D // 2,), jnp.float32),
        'be2': jnp.zeros((D // 2,), jnp.float32),
        'W3': jax.random.normal(ks[3], (D // 2, D), dtype=jnp.float32) * s,
        'b3': jnp.zeros((D,), jnp.float32),
        'g3': jnp.ones((D,), jnp.float32),
        'be3': jnp.zeros((D,), jnp.float32),
        'Wa1': jax.random.normal(ks[4], (D, D), dtype=jnp.float32) * s,
        'ba1': jnp.zeros((D,), jnp.float32),
        'ga1': jnp.ones((D,), jnp.float32),
        'bea1': jnp.zeros((D,), jnp.float32),
        'Wa2': jax.random.normal(ks[5], (D, D), dtype=jnp.float32) * s,
        'ba2': jnp.zeros((D,), jnp.float32),
    }
    return inp


def reference(coordinates, W1, b1, g1, be1, W2, b2, g2, be2, W3, b3, g3, be3, Wa1, ba1, ga1, bea1, Wa2, ba2):
    k_neighbors = 16
    B, N, _ = coordinates.shape
    # pairwise squared distances via gram trick (what torch.cdist does)
    sq = jnp.sum(coordinates ** 2, axis=-1)
    d2 = sq[:, :, None] + sq[:, None, :] - 2.0 * jnp.einsum('bnd,bmd->bnm', coordinates, coordinates)
    d2 = jnp.maximum(d2, 0.0)
    # k smallest distances == top_k of negated squared distance (same ordering as torch.topk largest=False)
    _, idx = jax.lax.top_k(-d2, k_neighbors)  # [B, N, k]
    neighbor_coords = jax.vmap(lambda c, i: c[i])(coordinates, idx)  # [B, N, k, 3]
    center_coords = coordinates[:, :, None, :]
    rel_pos = neighbor_coords - center_coords
    distances = jnp.sqrt(jnp.sum(rel_pos ** 2, axis=-1, keepdims=True) + 1e-12)
    rel_pos_norm = rel_pos / (distances + 1e-6)
    angles_xy = _safe_atan2(rel_pos_norm[..., 1], rel_pos_norm[..., 0])[..., None]
    angles_xz = _safe_atan2(rel_pos_norm[..., 2], rel_pos_norm[..., 0])[..., None]
    angles_yz = _safe_atan2(rel_pos_norm[..., 2], rel_pos_norm[..., 1])[..., None]
    geom = jnp.concatenate([distances, rel_pos, angles_xy, angles_xz, angles_yz, rel_pos_norm], axis=-1)  # [B,N,k,10]
    flat = geom.reshape(-1, 10)
    h = jax.nn.relu(_layernorm(flat @ W1 + b1, g1, be1))
    h = jax.nn.relu(_layernorm(h @ W2 + b2, g2, be2))
    h = _layernorm(h @ W3 + b3, g3, be3)
    enc = h.reshape(B, N, k_neighbors, -1)
    agg = jnp.mean(enc, axis=2)  # [B, N, D]
    out = jax.nn.relu(_layernorm(agg @ Wa1 + ba1, ga1, bea1)) @ Wa2 + ba2
    return out

if __name__ == "__main__":
    import jax
    _d = setup_inputs()
    print(jax.jit(kernel)(*tuple(_d.values())))

</pallas_src>

<mosaic_0001>
#map = affine_map<(d0, d1) -> (0, 0)>
#map1 = affine_map<(d0, d1) -> (0, 0, 0)>
module attributes {stable_mosaic.version = 14 : i64} {
  func.func @k2(%arg0: i32, %arg1: i32, %arg2: memref<8192x16xf32, #tpu.memory_space<hbm>>, %arg3: memref<32x16x128xi32, #tpu.memory_space<hbm>>, %arg4: memref<65536x16xf32, #tpu.memory_space<hbm>>, %arg5: memref<16x128xi32, #tpu.memory_space<vmem>>, %arg6: memref<2048x16xf32, #tpu.memory_space<vmem>>, %arg7: memref<!tpu.dma_semaphore, #tpu.memory_space<semaphore_mem>>) attributes {dimension_semantics = [#tpu.dimension_semantics<core_parallel>, #tpu.dimension_semantics<subcore_parallel>], iteration_bounds = array<i64: 2, 16>, scalar_prefetch = 0 : i64, scratch_operands = 3 : i64, tpu.core_type = #tpu.core_type<sc_vector_subcore>, window_params = [{transform_indices = #map}, {transform_indices = #map1}, {transform_indices = #map}]} {
    %mul3A = arith.constant 2 : i32
    %mul3A_0 = arith.muli %arg1, %mul3A : i32
    %add3A = arith.addi %mul3A_0, %arg0 : i32
    "tpu.region"() ({
      %run_scoped3A = tpu.sem_alloc : memref<!tpu.dma_semaphore, #tpu.memory_space<semaphore_mem>>
      %dma_start3A = arith.constant 0 : i32
      %dma_start3A_8 = arith.constant 0 : i32
      %dma_start3A_9 = tpu.memref_slice %arg3[%add3A, %dma_start3A, %dma_start3A_8] : memref<32x16x128xi32, #tpu.memory_space<hbm>> -> memref<1x16x128xi32, #tpu.memory_space<hbm>>
      %dma_start3A_10 = tpu.memref_squeeze %dma_start3A_9 : memref<1x16x128xi32, #tpu.memory_space<hbm>> -> memref<16x128xi32, #tpu.memory_space<hbm>>
      %dma_start3A_11 = arith.constant 0 : i32
      %dma_start3A_12 = arith.constant 0 : i32
      %dma_start3A_13 = tpu.memref_slice %arg3[%add3A, %dma_start3A_11, %dma_start3A_12] : memref<32x16x128xi32, #tpu.memory_space<hbm>> -> memref<1x16x128xi32, #tpu.memory_space<hbm>>
      %dma_start3A_14 = tpu.memref_squeeze %dma_start3A_13 : memref<1x16x128xi32, #tpu.memory_space<hbm>> -> memref<16x128xi32, #tpu.memory_space<hbm>>
      tpu.enqueue_dma source(%dma_start3A_14 : memref<16x128xi32, #tpu.memory_space<hbm>>) target(%arg5 : memref<16x128xi32, #tpu.memory_space<vmem>>) target_semaphore(%run_scoped3A : memref<!tpu.dma_semaphore, #tpu.memory_space<semaphore_mem>>)
      %dma_wait3A = arith.constant 0 : i32
      %dma_wait3A_15 = arith.constant 0 : i32
      %dma_wait3A_16 = tpu.memref_slice %arg3[%add3A, %dma_wait3A, %dma_wait3A_15] : memref<32x16x128xi32, #tpu.memory_space<hbm>> -> memref<1x16x128xi32, #tpu.memory_space<hbm>>
      %dma_wait3A_17 = tpu.memref_squeeze %dma_wait3A_16 : memref<1x16x128xi32, #tpu.memory_space<hbm>> -> memref<16x128xi32, #tpu.memory_space<hbm>>
      %dma_wait3A_18 = arith.constant 0 : i32
      %dma_wait3A_19 = arith.constant 0 : i32
      %dma_wait3A_20 = tpu.memref_slice %arg3[%add3A, %dma_wait3A_18, %dma_wait3A_19] : memref<32x16x128xi32, #tpu.memory_space<hbm>> -> memref<1x16x128xi32, #tpu.memory_space<hbm>>
      %dma_wait3A_21 = tpu.memref_squeeze %dma_wait3A_20 : memref<1x16x128xi32, #tpu.memory_space<hbm>> -> memref<16x128xi32, #tpu.memory_space<hbm>>
      tpu.wait_dma2 semaphore(%run_scoped3A : memref<!tpu.dma_semaphore, #tpu.memory_space<semaphore_mem>>) src(%dma_wait3A_21 : memref<16x128xi32, #tpu.memory_space<hbm>>) dst(%arg5 : memref<16x128xi32, #tpu.memory_space<vmem>>)
      tpu.yield
    }) : () -> ()
    %scan3A = arith.constant 0 : i32
    %scan3A_1 = arith.constant 0 : i32
    %scan3A_2 = arith.constant 16 : i32
    %scan3A_3 = arith.addi %scan3A_1, %scan3A_2 : i32
    %scan3A_4 = arith.constant 1 : i32
    scf.for %scan3A_8 = %scan3A_1 to %scan3A_3 step %scan3A_4  : i32 {
      %mul3A_9 = arith.constant 128 : i32
      %mul3A_10 = arith.muli %scan3A_8, %mul3A_9 : i32
      %dma_start3A = arith.constant 0 : i32
      %dma_start3A_11 = tpu.memref_slice %arg6[%mul3A_10, %dma_start3A] : memref<2048x16xf32, #tpu.memory_space<vmem>> -> memref<128x16xf32, #tpu.memory_space<vmem>>
      %dma_start3A_12 = arith.constant 0 : i32
      %dma_start3A_13 = tpu.memref_slice %arg5[%scan3A_8, %dma_start3A_12] : memref<16x128xi32, #tpu.memory_space<vmem>> -> memref<1x128xi32, #tpu.memory_space<vmem>>
      %dma_start3A_14 = tpu.memref_squeeze %dma_start3A_13 : memref<1x128xi32, #tpu.memory_space<vmem>> -> memref<128xi32, #tpu.memory_space<vmem>>
      %dma_start3A_15 = arith.constant 0 : i32
      %dma_start3A_16 = arith.constant 0 : i32
      %dma_start3A_17 = tpu.memref_slice %arg2[%dma_start3A_15, %dma_start3A_16] : memref<8192x16xf32, #tpu.memory_space<hbm>> -> memref<8192x16xf32, #tpu.memory_space<hbm>>
      tpu.enqueue_indirect_dma source(%dma_start3A_17 : memref<8192x16xf32, #tpu.memory_space<hbm>>) target(%dma_start3A_11 : memref<128x16xf32, #tpu.memory_space<vmem>>) offsets(%dma_start3A_14 : memref<128xi32, #tpu.memory_space<vmem>>) semaphore(%arg7 : memref<!tpu.dma_semaphore, #tpu.memory_space<semaphore_mem>>)
      %dma_wait3A = arith.constant 0 : i32
      %dma_wait3A_18 = tpu.memref_slice %arg6[%mul3A_10, %dma_wait3A] : memref<2048x16xf32, #tpu.memory_space<vmem>> -> memref<128x16xf32, #tpu.memory_space<vmem>>
      %dma_wait3A_19 = arith.constant 0 : i32
      %dma_wait3A_20 = tpu.memref_slice %arg5[%scan3A_8, %dma_wait3A_19] : memref<16x128xi32, #tpu.memory_space<vmem>> -> memref<1x128xi32, #tpu.memory_space<vmem>>
      %dma_wait3A_21 = tpu.memref_squeeze %dma_wait3A_20 : memref<1x128xi32, #tpu.memory_space<vmem>> -> memref<128xi32, #tpu.memory_space<vmem>>
      %dma_wait3A_22 = arith.constant 0 : i32
      %dma_wait3A_23 = arith.constant 0 : i32
      %dma_wait3A_24 = tpu.memref_slice %arg2[%dma_wait3A_22, %dma_wait3A_23] : memref<8192x16xf32, #tpu.memory_space<hbm>> -> memref<8192x16xf32, #tpu.memory_space<hbm>>
      tpu.wait_indirect_dma semaphore(%arg7 : memref<!tpu.dma_semaphore, #tpu.memory_space<semaphore_mem>>) src(%dma_wait3A_24 : memref<8192x16xf32, #tpu.memory_space<hbm>>) dst(%dma_wait3A_18 : memref<128x16xf32, #tpu.memory_space<vmem>>)
    }
    %scan3A_5 = arith.constant 16 : i32
    %mul3A_6 = arith.constant 2048 : i32
    %mul3A_7 = arith.muli %add3A, %mul3A_6 : i32
    "tpu.region"() ({
      %run_scoped3A = tpu.sem_alloc : memref<!tpu.dma_semaphore, #tpu.memory_space<semaphore_mem>>
      %dma_start3A = arith.constant 0 : i32
      %dma_start3A_8 = tpu.memref_slice %arg4[%mul3A_7, %dma_start3A] : memref<65536x16xf32, #tpu.memory_space<hbm>> -> memref<2048x16xf32, #tpu.memory_space<hbm>>
      %dma_start3A_9 = arith.constant 0 : i32
      %dma_start3A_10 = tpu.memref_slice %arg4[%mul3A_7, %dma_start3A_9] : memref<65536x16xf32, #tpu.memory_space<hbm>> -> memref<2048x16xf32, #tpu.memory_space<hbm>>
      tpu.enqueue_dma source(%arg6 : memref<2048x16xf32, #tpu.memory_space<vmem>>) target(%dma_start3A_10 : memref<2048x16xf32, #tpu.memory_space<hbm>>) target_semaphore(%run_scoped3A : memref<!tpu.dma_semaphore, #tpu.memory_space<semaphore_mem>>)
      %dma_wait3A = arith.constant 0 : i32
      %dma_wait3A_11 = tpu.memref_slice %arg4[%mul3A_7, %dma_wait3A] : memref<65536x16xf32, #tpu.memory_space<hbm>> -> memref<2048x16xf32, #tpu.memory_space<hbm>>
      %dma_wait3A_12 = arith.constant 0 : i32
      %dma_wait3A_13 = tpu.memref_slice %arg4[%mul3A_7, %dma_wait3A_12] : memref<65536x16xf32, #tpu.memory_space<hbm>> -> memref<2048x16xf32, #tpu.memory_space<hbm>>
      tpu.wait_dma2 semaphore(%run_scoped3A : memref<!tpu.dma_semaphore, #tpu.memory_space<semaphore_mem>>) src(%arg6 : memref<2048x16xf32, #tpu.memory_space<vmem>>) dst(%dma_wait3A_13 : memref<2048x16xf32, #tpu.memory_space<hbm>>)
      tpu.yield
    }) : () -> ()
    return
  }
}

#map = affine_map<(d0, d1) -> (0, 0)>
#map1 = affine_map<(d0, d1) -> (0, 0, 0)>
module attributes {stable_mosaic.version = 14 : i64} {
  func.func @k2(%arg0: i32, %arg1: i32, %arg2: memref<8192x16xf32, #tpu.memory_space<hbm>>, %arg3: memref<32x16x128xi32, #tpu.memory_space<hbm>>, %arg4: memref<65536x16xf32, #tpu.memory_space<hbm>>, %arg5: memref<16x128xi32, #tpu.memory_space<vmem>>, %arg6: memref<2048x16xf32, #tpu.memory_space<vmem>>, %arg7: memref<!tpu.dma_semaphore, #tpu.memory_space<semaphore_mem>>) attributes {dimension_semantics = [#tpu.dimension_semantics<core_parallel>, #tpu.dimension_semantics<subcore_parallel>], iteration_bounds = array<i64: 2, 16>, scalar_prefetch = 0 : i64, scratch_operands = 3 : i64, tpu.core_type = #tpu.core_type<sc_vector_subcore>, window_params = [{transform_indices = #map}, {transform_indices = #map1}, {transform_indices = #map}]} {
    %mul3A = arith.constant 2 : i32
    %mul3A_0 = arith.muli %arg1, %mul3A : i32
    %add3A = arith.addi %mul3A_0, %arg0 : i32
    "tpu.region"() ({
      %run_scoped3A = tpu.sem_alloc : memref<!tpu.dma_semaphore, #tpu.memory_space<semaphore_mem>>
      %dma_start3A = arith.constant 0 : i32
      %dma_start3A_8 = arith.constant 0 : i32
      %dma_start3A_9 = tpu.memref_slice %arg3[%add3A, %dma_start3A, %dma_start3A_8] : memref<32x16x128xi32, #tpu.memory_space<hbm>> -> memref<1x16x128xi32, #tpu.memory_space<hbm>>
      %dma_start3A_10 = tpu.memref_squeeze %dma_start3A_9 : memref<1x16x128xi32, #tpu.memory_space<hbm>> -> memref<16x128xi32, #tpu.memory_space<hbm>>
      %dma_start3A_11 = arith.constant 0 : i32
      %dma_start3A_12 = arith.constant 0 : i32
      %dma_start3A_13 = tpu.memref_slice %arg3[%add3A, %dma_start3A_11, %dma_start3A_12] : memref<32x16x128xi32, #tpu.memory_space<hbm>> -> memref<1x16x128xi32, #tpu.memory_space<hbm>>
      %dma_start3A_14 = tpu.memref_squeeze %dma_start3A_13 : memref<1x16x128xi32, #tpu.memory_space<hbm>> -> memref<16x128xi32, #tpu.memory_space<hbm>>
      tpu.enqueue_dma source(%dma_start3A_14 : memref<16x128xi32, #tpu.memory_space<hbm>>) target(%arg5 : memref<16x128xi32, #tpu.memory_space<vmem>>) target_semaphore(%run_scoped3A : memref<!tpu.dma_semaphore, #tpu.memory_space<semaphore_mem>>)
      %dma_wait3A = arith.constant 0 : i32
      %dma_wait3A_15 = arith.constant 0 : i32
      %dma_wait3A_16 = tpu.memref_slice %arg3[%add3A, %dma_wait3A, %dma_wait3A_15] : memref<32x16x128xi32, #tpu.memory_space<hbm>> -> memref<1x16x128xi32, #tpu.memory_space<hbm>>
      %dma_wait3A_17 = tpu.memref_squeeze %dma_wait3A_16 : memref<1x16x128xi32, #tpu.memory_space<hbm>> -> memref<16x128xi32, #tpu.memory_space<hbm>>
      %dma_wait3A_18 = arith.constant 0 : i32
      %dma_wait3A_19 = arith.constant 0 : i32
      %dma_wait3A_20 = tpu.memref_slice %arg3[%add3A, %dma_wait3A_18, %dma_wait3A_19] : memref<32x16x128xi32, #tpu.memory_space<hbm>> -> memref<1x16x128xi32, #tpu.memory_space<hbm>>
      %dma_wait3A_21 = tpu.memref_squeeze %dma_wait3A_20 : memref<1x16x128xi32, #tpu.memory_space<hbm>> -> memref<16x128xi32, #tpu.memory_space<hbm>>
      tpu.wait_dma2 semaphore(%run_scoped3A : memref<!tpu.dma_semaphore, #tpu.memory_space<semaphore_mem>>) src(%dma_wait3A_21 : memref<16x128xi32, #tpu.memory_space<hbm>>) dst(%arg5 : memref<16x128xi32, #tpu.memory_space<vmem>>)
      tpu.yield
    }) : () -> ()
    %scan3A = arith.constant 0 : i32
    %scan3A_1 = arith.constant 0 : i32
    %scan3A_2 = arith.constant 16 : i32
    %scan3A_3 = arith.addi %scan3A_1, %scan3A_2 : i32
    %scan3A_4 = arith.constant 1 : i32
    scf.for %scan3A_8 = %scan3A_1 to %scan3A_3 step %scan3A_4  : i32 {
      %mul3A_9 = arith.constant 128 : i32
      %mul3A_10 = arith.muli %scan3A_8, %mul3A_9 : i32
      %dma_start3A = arith.constant 0 : i32
      %dma_start3A_11 = tpu.memref_slice %arg6[%mul3A_10, %dma_start3A] : memref<2048x16xf32, #tpu.memory_space<vmem>> -> memref<128x16xf32, #tpu.memory_space<vmem>>
      %dma_start3A_12 = arith.constant 0 : i32
      %dma_start3A_13 = tpu.memref_slice %arg5[%scan3A_8, %dma_start3A_12] : memref<16x128xi32, #tpu.memory_space<vmem>> -> memref<1x128xi32, #tpu.memory_space<vmem>>
      %dma_start3A_14 = tpu.memref_squeeze %dma_start3A_13 : memref<1x128xi32, #tpu.memory_space<vmem>> -> memref<128xi32, #tpu.memory_space<vmem>>
      %dma_start3A_15 = arith.constant 0 : i32
      %dma_start3A_16 = arith.constant 0 : i32
      %dma_start3A_17 = tpu.memref_slice %arg2[%dma_start3A_15, %dma_start3A_16] : memref<8192x16xf32, #tpu.memory_space<hbm>> -> memref<8192x16xf32, #tpu.memory_space<hbm>>
      tpu.enqueue_indirect_dma source(%dma_start3A_17 : memref<8192x16xf32, #tpu.memory_space<hbm>>) target(%dma_start3A_11 : memref<128x16xf32, #tpu.memory_space<vmem>>) offsets(%dma_start3A_14 : memref<128xi32, #tpu.memory_space<vmem>>) semaphore(%arg7 : memref<!tpu.dma_semaphore, #tpu.memory_space<semaphore_mem>>)
      %dma_wait3A = arith.constant 0 : i32
      %dma_wait3A_18 = tpu.memref_slice %arg6[%mul3A_10, %dma_wait3A] : memref<2048x16xf32, #tpu.memory_space<vmem>> -> memref<128x16xf32, #tpu.memory_space<vmem>>
      %dma_wait3A_19 = arith.constant 0 : i32
      %dma_wait3A_20 = tpu.memref_slice %arg5[%scan3A_8, %dma_wait3A_19] : memref<16x128xi32, #tpu.memory_space<vmem>> -> memref<1x128xi32, #tpu.memory_space<vmem>>
      %dma_wait3A_21 = tpu.memref_squeeze %dma_wait3A_20 : memref<1x128xi32, #tpu.memory_space<vmem>> -> memref<128xi32, #tpu.memory_space<vmem>>
      %dma_wait3A_22 = arith.constant 0 : i32
      %dma_wait3A_23 = arith.constant 0 : i32
      %dma_wait3A_24 = tpu.memref_slice %arg2[%dma_wait3A_22, %dma_wait3A_23] : memref<8192x16xf32, #tpu.memory_space<hbm>> -> memref<8192x16xf32, #tpu.memory_space<hbm>>
      tpu.wait_indirect_dma semaphore(%arg7 : memref<!tpu.dma_semaphore, #tpu.memory_space<semaphore_mem>>) src(%dma_wait3A_24 : memref<8192x16xf32, #tpu.memory_space<hbm>>) dst(%dma_wait3A_18 : memref<128x16xf32, #tpu.memory_space<vmem>>)
    }
    %scan3A_5 = arith.constant 16 : i32
    %mul3A_6 = arith.constant 2048 : i32
    %mul3A_7 = arith.muli %add3A, %mul3A_6 : i32
    "tpu.region"() ({
      %run_scoped3A = tpu.sem_alloc : memref<!tpu.dma_semaphore, #tpu.memory_space<semaphore_mem>>
      %dma_start3A = arith.constant 0 : i32
      %dma_start3A_8 = tpu.memref_slice %arg4[%mul3A_7, %dma_start3A] : memref<65536x16xf32, #tpu.memory_space<hbm>> -> memref<2048x16xf32, #tpu.memory_space<hbm>>
      %dma_start3A_9 = arith.constant 0 : i32
      %dma_start3A_10 = tpu.memref_slice %arg4[%mul3A_7, %dma_start3A_9] : memref<65536x16xf32, #tpu.memory_space<hbm>> -> memref<2048x16xf32, #tpu.memory_space<hbm>>
      tpu.enqueue_dma source(%arg6 : memref<2048x16xf32, #tpu.memory_space<vmem>>) target(%dma_start3A_10 : memref<2048x16xf32, #tpu.memory_space<hbm>>) target_semaphore(%run_scoped3A : memref<!tpu.dma_semaphore, #tpu.memory_space<semaphore_mem>>)
      %dma_wait3A = arith.constant 0 : i32
      %dma_wait3A_11 = tpu.memref_slice %arg4[%mul3A_7, %dma_wait3A] : memref<65536x16xf32, #tpu.memory_space<hbm>> -> memref<2048x16xf32, #tpu.memory_space<hbm>>
      %dma_wait3A_12 = arith.constant 0 : i32
      %dma_wait3A_13 = tpu.memref_slice %arg4[%mul3A_7, %dma_wait3A_12] : memref<65536x16xf32, #tpu.memory_space<hbm>> -> memref<2048x16xf32, #tpu.memory_space<hbm>>
      tpu.wait_dma2 semaphore(%run_scoped3A : memref<!tpu.dma_semaphore, #tpu.memory_space<semaphore_mem>>) src(%arg6 : memref<2048x16xf32, #tpu.memory_space<vmem>>) dst(%dma_wait3A_13 : memref<2048x16xf32, #tpu.memory_space<hbm>>)
      tpu.yield
    }) : () -> ()
    return
  }
}

module attributes {stable_mosaic.version = 14 : i64} {
  func.func @_topk_body(%arg0: i32, %arg1: i32, %arg2: memref<1x256x8xf32, #tpu.memory_space<vmem>>, %arg3: memref<1x8x4096xf32, #tpu.memory_space<vmem>>, %arg4: memref<1x256x16xi32, #tpu.memory_space<vmem>>) attributes {dimension_semantics = [#tpu.dimension_semantics<arbitrary>, #tpu.dimension_semantics<arbitrary>], iteration_bounds = array<i64: 1, 16>, scalar_prefetch = 0 : i64, scratch_operands = 0 : i64, tpu.core_type = #tpu.core_type<tc>, window_params = [{transform_indices = @transform_0, window_bounds = array<i64: 1, 256, 8>}, {transform_indices = @transform_1, window_bounds = array<i64: 1, 8, 4096>}, {transform_indices = @transform_2, window_bounds = array<i64: 1, 256, 16>}]} {
    %get3A = arith.constant 0 : index
    %get3A_0 = arith.constant 0 : index
    %get3A_1 = arith.constant 0 : index
    %get3A_2 = vector.load %arg2[%get3A, %get3A_0, %get3A_1] : memref<1x256x8xf32, #tpu.memory_space<vmem>>, vector<1x256x8xf32>
    %get3A_3 = vector.shape_cast %get3A_2 : vector<1x256x8xf32> to vector<256x8xf32>
    %get3A_4 = arith.constant 0 : index
    %get3A_5 = arith.constant 0 : index
    %get3A_6 = arith.constant 0 : index
    %get3A_7 = vector.load %arg3[%get3A_4, %get3A_5, %get3A_6] : memref<1x8x4096xf32, #tpu.memory_space<vmem>>, vector<1x8x4096xf32>
    %get3A_8 = vector.shape_cast %get3A_7 : vector<1x8x4096xf32> to vector<8x4096xf32>
    %mul3A = arith.mulf %get3A_3, %get3A_3 : vector<256x8xf32>
    %reduce_sum3A = arith.constant dense<0.000000e+00> : vector<256xf32>
    %reduce_sum3A_9 = vector.multi_reduction <add>, %mul3A, %reduce_sum3A [1] : vector<256x8xf32> to vector<256xf32>
    %broadcast_in_dim3A = vector.shape_cast %reduce_sum3A_9 : vector<256xf32> to vector<256x1xf32>
    %mul3A_10 = arith.mulf %get3A_8, %get3A_8 : vector<8x4096xf32>
    %reduce_sum3A_11 = arith.constant dense<0.000000e+00> : vector<4096xf32>
    %reduce_sum3A_12 = vector.multi_reduction <add>, %mul3A_10, %reduce_sum3A_11 [0] : vector<8x4096xf32> to vector<4096xf32>
    %broadcast_in_dim3A_13 = vector.shape_cast %reduce_sum3A_12 : vector<4096xf32> to vector<1x4096xf32>
    %add3A = vector.broadcast %broadcast_in_dim3A : vector<256x1xf32> to vector<256x4096xf32>
    %add3A_14 = vector.broadcast %broadcast_in_dim3A_13 : vector<1x4096xf32> to vector<256x4096xf32>
    %add3A_15 = arith.addf %add3A, %add3A_14 : vector<256x4096xf32>
    %dot_general3A = arith.constant dense<0.000000e+00> : vector<256x4096xf32>
    %dot_general3A_16 = tpu.matmul %get3A_3, %get3A_8, %dot_general3A {dimension_numbers = #tpu.dot_dimension_numbers<[1], [0], [0], [1], [0, 0, 1, 1], [], []>, transpose_lhs_hint = false} : vector<256x8xf32>, vector<8x4096xf32>, vector<256x4096xf32> -> vector<256x4096xf32>
    %mul3A_17 = arith.constant 2.000000e+00 : f32
    %mul3A_18 = vector.broadcast %mul3A_17 : f32 to vector<256x4096xf32>
    %mul3A_19 = arith.mulf %mul3A_18, %dot_general3A_16 : vector<256x4096xf32>
    %sub3A = arith.subf %add3A_15, %mul3A_19 : vector<256x4096xf32>
    %max3A = arith.constant 0.000000e+00 : f32
    %max3A_20 = vector.broadcast %max3A : f32 to vector<256x4096xf32>
    %max3A_21 = arith.maximumf %sub3A, %max3A_20 : vector<256x4096xf32>
    %iota3A = tpu.iota {dimensions = array<i32: 1>} : vector<256x4096xi32>
    %convert_element_type3A = arith.sitofp %iota3A : vector<256x4096xi32> to vector<256x4096xf32>
    %reduce_min3A = arith.constant dense<0x7F800000> : vector<256xf32>
    %reduce_min3A_22 = vector.multi_reduction <minimumf>, %max3A_21, %reduce_min3A [1] : vector<256x4096xf32> to vector<256xf32>
    %broadcast_in_dim3A_23 = vector.shape_cast %reduce_min3A_22 : vector<256xf32> to vector<256x1xf32>
    %eq3A = vector.broadcast %broadcast_in_dim3A_23 : vector<256x1xf32> to vector<256x4096xf32>
    %eq3A_24 = arith.cmpf oeq, %max3A_21, %eq3A : vector<256x4096xf32>
    %jit3A = arith.constant 4.096000e+03 : f32
    %broadcast_in_dim3A_25 = vector.broadcast %jit3A : f32 to vector<256x4096xf32>
    %select_n3A = arith.select %eq3A_24, %convert_element_type3A, %broadcast_in_dim3A_25 : vector<256x4096xi1>, vector<256x4096xf32>
    %reduce_min3A_26 = arith.constant dense<0x7F800000> : vector<256xf32>
    %reduce_min3A_27 = vector.multi_reduction <minimumf>, %select_n3A, %reduce_min3A_26 [1] : vector<256x4096xf32> to vector<256xf32>
    %broadcast_in_dim3A_28 = vector.shape_cast %reduce_min3A_27 : vector<256xf32> to vector<256x1xf32>
    %eq3A_29 = vector.broadcast %broadcast_in_dim3A_28 : vector<256x1xf32> to vector<256x4096xf32>
    %eq3A_30 = arith.cmpf oeq, %convert_element_type3A, %eq3A_29 : vector<256x4096xf32>
    %jit3A_31 = arith.constant 3.400000e+38 : f32
    %broadcast_in_dim3A_32 = vector.broadcast %jit3A_31 : f32 to vector<256x4096xf32>
    %select_n3A_33 = arith.select %eq3A_30, %broadcast_in_dim3A_32, %max3A_21 : vector<256x4096xi1>, vector<256x4096xf32>
    %reduce_min3A_34 = arith.constant dense<0x7F800000> : vector<256xf32>
    %reduce_min3A_35 = vector.multi_reduction <minimumf>, %select_n3A_33, %reduce_min3A_34 [1] : vector<256x4096xf32> to vector<256xf32>
    %broadcast_in_dim3A_36 = vector.shape_cast %reduce_min3A_35 : vector<256xf32> to vector<256x1xf32>
    %eq3A_37 = vector.broadcast %broadcast_in_dim3A_36 : vector<256x1xf32> to vector<256x4096xf32>
    %eq3A_38 = arith.cmpf oeq, %select_n3A_33, %eq3A_37 : vector<256x4096xf32>
    %jit3A_39 = arith.constant 4.096000e+03 : f32
    %broadcast_in_dim3A_40 = vector.broadcast %jit3A_39 : f32 to vector<256x4096xf32>
    %select_n3A_41 = arith.select %eq3A_38, %convert_element_type3A, %broadcast_in_dim3A_40 : vector<256x4096xi1>, vector<256x4096xf32>
    %reduce_min3A_42 = arith.constant dense<0x7F800000> : vector<256xf32>
    %reduce_min3A_43 = vector.multi_reduction <minimumf>, %select_n3A_41, %reduce_min3A_42 [1] : vector<256x4096xf32> to vector<256xf32>
    %broadcast_in_dim3A_44 = vector.shape_cast %reduce_min3A_43 : vector<256xf32> to vector<256x1xf32>
    %eq3A_45 = vector.broadcast %broadcast_in_dim3A_44 : vector<256x1xf32> to vector<256x4096xf32>
    %eq3A_46 = arith.cmpf oeq, %convert_element_type3A, %eq3A_45 : vector<256x4096xf32>
    %jit3A_47 = arith.constant 3.400000e+38 : f32
    %broadcast_in_dim3A_48 = vector.broadcast %jit3A_47 : f32 to vector<256x4096xf32>
    %select_n3A_49 = arith.select %eq3A_46, %broadcast_in_dim3A_48, %select_n3A_33 : vector<256x4096xi1>, vector<256x4096xf32>
    %reduce_min3A_50 = arith.constant dense<0x7F800000> : vector<256xf32>
    %reduce_min3A_51 = vector.multi_reduction <minimumf>, %select_n3A_49, %reduce_min3A_50 [1] : vector<256x4096xf32> to vector<256xf32>
    %broadcast_in_dim3A_52 = vector.shape_cast %reduce_min3A_51 : vector<256xf32> to vector<256x1xf32>
    %eq3A_53 = vector.broadcast %broadcast_in_dim3A_52 : vector<256x1xf32> to vector<256x4096xf32>
    %eq3A_54 = arith.cmpf oeq, %select_n3A_49, %eq3A_53 : vector<256x4096xf32>
    %jit3A_55 = arith.constant 4.096000e+03 : f32
    %broadcast_in_dim3A_56 = vector.broadcast %jit3A_55 : f32 to vector<256x4096xf32>
    %select_n3A_57 = arith.select %eq3A_54, %convert_element_type3A, %broadcast_in_dim3A_56 : vector<256x4096xi1>, vector<256x4096xf32>
    %reduce_min3A_58 = arith.constant dense<0x7F800000> : vector<256xf32>
    %reduce_min3A_59 = vector.multi_reduction <minimumf>, %select_n3A_57, %reduce_min3A_58 [1] : vector<256x4096xf32> to vector<256xf32>
    %broadcast_in_dim3A_60 = vector.shape_cast %reduce_min3A_59 : vector<256xf32> to vector<256x1xf32>
    %eq3A_61 = vector.broadcast %broadcast_in_dim3A_60 : vector<256x1xf32> to vector<256x4096xf32>
    %eq3A_62 = arith.cmpf oeq, %convert_element_type3A, %eq3A_61 : vector<256x4096xf32>
    %jit3A_63 = arith.constant 3.400000e+38 : f32
    %broadcast_in_dim3A_64 = vector.broadcast %jit3A_63 : f32 to vector<256x4096xf32>
    %select_n3A_65 = arith.select %eq3A_62, %broadcast_in_dim3A_64, %select_n3A_49 : vector<256x4096xi1>, vector<256x4096xf32>
    %reduce_min3A_66 = arith.constant dense<0x7F800000> : vector<256xf32>
    %reduce_min3A_67 = vector.multi_reduction <minimumf>, %select_n3A_65, %reduce_min3A_66 [1] : vector<256x4096xf32> to vector<256xf32>
    %broadcast_in_dim3A_68 = vector.shape_cast %reduce_min3A_67 : vector<256xf32> to vector<256x1xf32>
    %eq3A_69 = vector.broadcast %broadcast_in_dim3A_68 : vector<256x1xf32> to vector<256x4096xf32>
    %eq3A_70 = arith.cmpf oeq, %select_n3A_65, %eq3A_69 : vector<256x4096xf32>
    %jit3A_71 = arith.constant 4.096000e+03 : f32
    %broadcast_in_dim3A_72 = vector.broadcast %jit3A_71 : f32 to vector<256x4096xf32>
    %select_n3A_73 = arith.select %eq3A_70, %convert_element_type3A, %broadcast_in_dim3A_72 : vector<256x4096xi1>, vector<256x4096xf32>
    %reduce_min3A_74 = arith.constant dense<0x7F800000> : vector<256xf32>
    %reduce_min3A_75 = vector.multi_reduction <minimumf>, %select_n3A_73, %reduce_min3A_74 [1] : vector<256x4096xf32> to vector<256xf32>
    %broadcast_in_dim3A_76 = vector.shape_cast %reduce_min3A_75 : vector<256xf32> to vector<256x1xf32>
    %eq3A_77 = vector.broadcast %broadcast_in_dim3A_76 : vector<256x1xf32> to vector<256x4096xf32>
    %eq3A_78 = arith.cmpf oeq, %convert_element_type3A, %eq3A_77 : vector<256x4096xf32>
    %jit3A_79 = arith.constant 3.400000e+38 : f32
    %broadcast_in_dim3A_80 = vector.broadcast %jit3A_79 : f32 to vector<256x4096xf32>
    %select_n3A_81 = arith.select %eq3A_78, %broadcast_in_dim3A_80, %select_n3A_65 : vector<256x4096xi1>, vector<256x4096xf32>
    %reduce_min3A_82 = arith.constant dense<0x7F800000> : vector<256xf32>
    %reduce_min3A_83 = vector.multi_reduction <minimumf>, %select_n3A_81, %reduce_min3A_82 [1] : vector<256x4096xf32> to vector<256xf32>
    %broadcast_in_dim3A_84 = vector.shape_cast %reduce_min3A_83 : vector<256xf32> to vector<256x1xf32>
    %eq3A_85 = vector.broadcast %broadcast_in_dim3A_84 : vector<256x1xf32> to vector<256x4096xf32>
    %eq3A_86 = arith.cmpf oeq, %select_n3A_81, %eq3A_85 : vector<256x4096xf32>
    %jit3A_87 = arith.constant 4.096000e+03 : f32
    %broadcast_in_dim3A_88 = vector.broadcast %jit3A_87 : f32 to vector<256x4096xf32>
    %select_n3A_89 = arith.select %eq3A_86, %convert_element_type3A, %broadcast_in_dim3A_88 : vector<256x4096xi1>, vector<256x4096xf32>
    %reduce_min3A_90 = arith.constant dense<0x7F800000> : vector<256xf32>
    %reduce_min3A_91 = vector.multi_reduction <minimumf>, %select_n3A_89, %reduce_min3A_90 [1] : vector<256x4096xf32> to vector<256xf32>
    %broadcast_in_dim3A_92 = vector.shape_cast %reduce_min3A_91 : vector<256xf32> to vector<256x1xf32>
    %eq3A_93 = vector.broadcast %broadcast_in_dim3A_92 : vector<256x1xf32> to vector<256x4096xf32>
    %eq3A_94 = arith.cmpf oeq, %convert_element_type3A, %eq3A_93 : vector<256x4096xf32>
    %jit3A_95 = arith.constant 3.400000e+38 : f32
    %broadcast_in_dim3A_96 = vector.broadcast %jit3A_95 : f32 to vector<256x4096xf32>
    %select_n3A_97 = arith.select %eq3A_94, %broadcast_in_dim3A_96, %select_n3A_81 : vector<256x4096xi1>, vector<256x4096xf32>
    %reduce_min3A_98 = arith.constant dense<0x7F800000> : vector<256xf32>
    %reduce_min3A_99 = vector.multi_reduction <minimumf>, %select_n3A_97, %reduce_min3A_98 [1] : vector<256x4096xf32> to vector<256xf32>
    %broadcast_in_dim3A_100 = vector.shape_cast %reduce_min3A_99 : vector<256xf32> to vector<256x1xf32>
    %eq3A_101 = vector.broadcast %broadcast_in_dim3A_100 : vector<256x1xf32> to vector<256x4096xf32>
    %eq3A_102 = arith.cmpf oeq, %select_n3A_97, %eq3A_101 : vector<256x4096xf32>
    %jit3A_103 = arith.constant 4.096000e+03 : f32
    %broadcast_in_dim3A_104 = vector.broadcast %jit3A_103 : f32 to vector<256x4096xf32>
    %select_n3A_105 = arith.select %eq3A_102, %convert_element_type3A, %broadcast_in_dim3A_104 : vector<256x4096xi1>, vector<256x4096xf32>
    %reduce_min3A_106 = arith.constant dense<0x7F800000> : vector<256xf32>
    %reduce_min3A_107 = vector.multi_reduction <minimumf>, %select_n3A_105, %reduce_min3A_106 [1] : vector<256x4096xf32> to vector<256xf32>
    %broadcast_in_dim3A_108 = vector.shape_cast %reduce_min3A_107 : vector<256xf32> to vector<256x1xf32>
    %eq3A_109 = vector.broadcast %broadcast_in_dim3A_108 : vector<256x1xf32> to vector<256x4096xf32>
    %eq3A_110 = arith.cmpf oeq, %convert_element_type3A, %eq3A_109 : vector<256x4096xf32>
    %jit3A_111 = arith.constant 3.400000e+38 : f32
    %broadcast_in_dim3A_112 = vector.broadcast %jit3A_111 : f32 to vector<256x4096xf32>
    %select_n3A_113 = arith.select %eq3A_110, %broadcast_in_dim3A_112, %select_n3A_97 : vector<256x4096xi1>, vector<256x4096xf32>
    %reduce_min3A_114 = arith.constant dense<0x7F800000> : vector<256xf32>
    %reduce_min3A_115 = vector.multi_reduction <minimumf>, %select_n3A_113, %reduce_min3A_114 [1] : vector<256x4096xf32> to vector<256xf32>
    %broadcast_in_dim3A_116 = vector.shape_cast %reduce_min3A_115 : vector<256xf32> to vector<256x1xf32>
    %eq3A_117 = vector.broadcast %broadcast_in_dim3A_116 : vector<256x1xf32> to vector<256x4096xf32>
    %eq3A_118 = arith.cmpf oeq, %select_n3A_113, %eq3A_117 : vector<256x4096xf32>
    %jit3A_119 = arith.constant 4.096000e+03 : f32
    %broadcast_in_dim3A_120 = vector.broadcast %jit3A_119 : f32 to vector<256x4096xf32>
    %select_n3A_121 = arith.select %eq3A_118, %convert_element_type3A, %broadcast_in_dim3A_120 : vector<256x4096xi1>, vector<256x4096xf32>
    %reduce_min3A_122 = arith.constant dense<0x7F800000> : vector<256xf32>
    %reduce_min3A_123 = vector.multi_reduction <minimumf>, %select_n3A_121, %reduce_min3A_122 [1] : vector<256x4096xf32> to vector<256xf32>
    %broadcast_in_dim3A_124 = vector.shape_cast %reduce_min3A_123 : vector<256xf32> to vector<256x1xf32>
    %eq3A_125 = vector.broadcast %broadcast_in_dim3A_124 : vector<256x1xf32> to vector<256x4096xf32>
    %eq3A_126 = arith.cmpf oeq, %convert_element_type3A, %eq3A_125 : vector<256x4096xf32>
    %jit3A_127 = arith.constant 3.400000e+38 : f32
    %broadcast_in_dim3A_128 = vector.broadcast %jit3A_127 : f32 to vector<256x4096xf32>
    %select_n3A_129 = arith.select %eq3A_126, %broadcast_in_dim3A_128, %select_n3A_113 : vector<256x4096xi1>, vector<256x4096xf32>
    %reduce_min3A_130 = arith.constant dense<0x7F800000> : vector<256xf32>
    %reduce_min3A_131 = vector.multi_reduction <minimumf>, %select_n3A_129, %reduce_min3A_130 [1] : vector<256x4096xf32> to vector<256xf32>
    %broadcast_in_dim3A_132 = vector.shape_cast %reduce_min3A_131 : vector<256xf32> to vector<256x1xf32>
    %eq3A_133 = vector.broadcast %broadcast_in_dim3A_132 : vector<256x1xf32> to vector<256x4096xf32>
    %eq3A_134 = arith.cmpf oeq, %select_n3A_129, %eq3A_133 : vector<256x4096xf32>
    %jit3A_135 = arith.constant 4.096000e+03 : f32
    %broadcast_in_dim3A_136 = vector.broadcast %jit3A_135 : f32 to vector<256x4096xf32>
    %select_n3A_137 = arith.select %eq3A_134, %convert_element_type3A, %broadcast_in_dim3A_136 : vector<256x4096xi1>, vector<256x4096xf32>
    %reduce_min3A_138 = arith.constant dense<0x7F800000> : vector<256xf32>
    %reduce_min3A_139 = vector.multi_reduction <minimumf>, %select_n3A_137, %reduce_min3A_138 [1] : vector<256x4096xf32> to vector<256xf32>
    %broadcast_in_dim3A_140 = vector.shape_cast %reduce_min3A_139 : vector<256xf32> to vector<256x1xf32>
    %eq3A_141 = vector.broadcast %broadcast_in_dim3A_140 : vector<256x1xf32> to vector<256x4096xf32>
    %eq3A_142 = arith.cmpf oeq, %convert_element_type3A, %eq3A_141 : vector<256x4096xf32>
    %jit3A_143 = arith.constant 3.400000e+38 : f32
    %broadcast_in_dim3A_144 = vector.broadcast %jit3A_143 : f32 to vector<256x4096xf32>
    %select_n3A_145 = arith.select %eq3A_142, %broadcast_in_dim3A_144, %select_n3A_129 : vector<256x4096xi1>, vector<256x4096xf32>
    %reduce_min3A_146 = arith.constant dense<0x7F800000> : vector<256xf32>
    %reduce_min3A_147 = vector.multi_reduction <minimumf>, %select_n3A_145, %reduce_min3A_146 [1] : vector<256x4096xf32> to vector<256xf32>
    %broadcast_in_dim3A_148 = vector.shape_cast %reduce_min3A_147 : vector<256xf32> to vector<256x1xf32>
    %eq3A_149 = vector.broadcast %broadcast_in_dim3A_148 : vector<256x1xf32> to vector<256x4096xf32>
    %eq3A_150 = arith.cmpf oeq, %select_n3A_145, %eq3A_149 : vector<256x4096xf32>
    %jit3A_151 = arith.constant 4.096000e+03 : f32
    %broadcast_in_dim3A_152 = vector.broadcast %jit3A_151 : f32 to vector<256x4096xf32>
    %select_n3A_153 = arith.select %eq3A_150, %convert_element_type3A, %broadcast_in_dim3A_152 : vector<256x4096xi1>, vector<256x4096xf32>
    %reduce_min3A_154 = arith.constant dense<0x7F800000> : vector<256xf32>
    %reduce_min3A_155 = vector.multi_reduction <minimumf>, %select_n3A_153, %reduce_min3A_154 [1] : vector<256x4096xf32> to vector<256xf32>
    %broadcast_in_dim3A_156 = vector.shape_cast %reduce_min3A_155 : vector<256xf32> to vector<256x1xf32>
    %eq3A_157 = vector.broadcast %broadcast_in_dim3A_156 : vector<256x1xf32> to vector<256x4096xf32>
    %eq3A_158 = arith.cmpf oeq, %convert_element_type3A, %eq3A_157 : vector<256x4096xf32>
    %jit3A_159 = arith.constant 3.400000e+38 : f32
    %broadcast_in_dim3A_160 = vector.broadcast %jit3A_159 : f32 to vector<256x4096xf32>
    %select_n3A_161 = arith.select %eq3A_158, %broadcast_in_dim3A_160, %select_n3A_145 : vector<256x4096xi1>, vector<256x4096xf32>
    %reduce_min3A_162 = arith.constant dense<0x7F800000> : vector<256xf32>
    %reduce_min3A_163 = vector.multi_reduction <minimumf>, %select_n3A_161, %reduce_min3A_162 [1] : vector<256x4096xf32> to vector<256xf32>
    %broadcast_in_dim3A_164 = vector.shape_cast %reduce_min3A_163 : vector<256xf32> to vector<256x1xf32>
    %eq3A_165 = vector.broadcast %broadcast_in_dim3A_164 : vector<256x1xf32> to vector<256x4096xf32>
    %eq3A_166 = arith.cmpf oeq, %select_n3A_161, %eq3A_165 : vector<256x4096xf32>
    %jit3A_167 = arith.constant 4.096000e+03 : f32
    %broadcast_in_dim3A_168 = vector.broadcast %jit3A_167 : f32 to vector<256x4096xf32>
    %select_n3A_169 = arith.select %eq3A_166, %convert_element_type3A, %broadcast_in_dim3A_168 : vector<256x4096xi1>, vector<256x4096xf32>
    %reduce_min3A_170 = arith.constant dense<0x7F800000> : vector<256xf32>
    %reduce_min3A_171 = vector.multi_reduction <minimumf>, %select_n3A_169, %reduce_min3A_170 [1] : vector<256x4096xf32> to vector<256xf32>
    %broadcast_in_dim3A_172 = vector.shape_cast %reduce_min3A_171 : vector<256xf32> to vector<256x1xf32>
    %eq3A_173 = vector.broadcast %broadcast_in_dim3A_172 : vector<256x1xf32> to vector<256x4096xf32>
    %eq3A_174 = arith.cmpf oeq, %convert_element_type3A, %eq3A_173 : vector<256x4096xf32>
    %jit3A_175 = arith.constant 3.400000e+38 : f32
    %broadcast_in_dim3A_176 = vector.broadcast %jit3A_175 : f32 to vector<256x4096xf32>
    %select_n3A_177 = arith.select %eq3A_174, %broadcast_in_dim3A_176, %select_n3A_161 : vector<256x4096xi1>, vector<256x4096xf32>
    %reduce_min3A_178 = arith.constant dense<0x7F800000> : vector<256xf32>
    %reduce_min3A_179 = vector.multi_reduction <minimumf>, %select_n3A_177, %reduce_min3A_178 [1] : vector<256x4096xf32> to vector<256xf32>
    %broadcast_in_dim3A_180 = vector.shape_cast %reduce_min3A_179 : vector<256xf32> to vector<256x1xf32>
    %eq3A_181 = vector.broadcast %broadcast_in_dim3A_180 : vector<256x1xf32> to vector<256x4096xf32>
    %eq3A_182 = arith.cmpf oeq, %select_n3A_177, %eq3A_181 : vector<256x4096xf32>
    %jit3A_183 = arith.constant 4.096000e+03 : f32
    %broadcast_in_dim3A_184 = vector.broadcast %jit3A_183 : f32 to vector<256x4096xf32>
    %select_n3A_185 = arith.select %eq3A_182, %convert_element_type3A, %broadcast_in_dim3A_184 : vector<256x4096xi1>, vector<256x4096xf32>
    %reduce_min3A_186 = arith.constant dense<0x7F800000> : vector<256xf32>
    %reduce_min3A_187 = vector.multi_reduction <minimumf>, %select_n3A_185, %reduce_min3A_186 [1] : vector<256x4096xf32> to vector<256xf32>
    %broadcast_in_dim3A_188 = vector.shape_cast %reduce_min3A_187 : vector<256xf32> to vector<256x1xf32>
    %eq3A_189 = vector.broadcast %broadcast_in_dim3A_188 : vector<256x1xf32> to vector<256x4096xf32>
    %eq3A_190 = arith.cmpf oeq, %convert_element_type3A, %eq3A_189 : vector<256x4096xf32>
    %jit3A_191 = arith.constant 3.400000e+38 : f32
    %broadcast_in_dim3A_192 = vector.broadcast %jit3A_191 : f32 to vector<256x4096xf32>
    %select_n3A_193 = arith.select %eq3A_190, %broadcast_in_dim3A_192, %select_n3A_177 : vector<256x4096xi1>, vector<256x4096xf32>
    %reduce_min3A_194 = arith.constant dense<0x7F800000> : vector<256xf32>
    %reduce_min3A_195 = vector.multi_reduction <minimumf>, %select_n3A_193, %reduce_min3A_194 [1] : vector<256x4096xf32> to vector<256xf32>
    %broadcast_in_dim3A_196 = vector.shape_cast %reduce_min3A_195 : vector<256xf32> to vector<256x1xf32>
    %eq3A_197 = vector.broadcast %broadcast_in_dim3A_196 : vector<256x1xf32> to vector<256x4096xf32>
    %eq3A_198 = arith.cmpf oeq, %select_n3A_193, %eq3A_197 : vector<256x4096xf32>
    %jit3A_199 = arith.constant 4.096000e+03 : f32
    %broadcast_in_dim3A_200 = vector.broadcast %jit3A_199 : f32 to vector<256x4096xf32>
    %select_n3A_201 = arith.select %eq3A_198, %convert_element_type3A, %broadcast_in_dim3A_200 : vector<256x4096xi1>, vector<256x4096xf32>
    %reduce_min3A_202 = arith.constant dense<0x7F800000> : vector<256xf32>
    %reduce_min3A_203 = vector.multi_reduction <minimumf>, %select_n3A_201, %reduce_min3A_202 [1] : vector<256x4096xf32> to vector<256xf32>
    %broadcast_in_dim3A_204 = vector.shape_cast %reduce_min3A_203 : vector<256xf32> to vector<256x1xf32>
    %eq3A_205 = vector.broadcast %broadcast_in_dim3A_204 : vector<256x1xf32> to vector<256x4096xf32>
    %eq3A_206 = arith.cmpf oeq, %convert_element_type3A, %eq3A_205 : vector<256x4096xf32>
    %jit3A_207 = arith.constant 3.400000e+38 : f32
    %broadcast_in_dim3A_208 = vector.broadcast %jit3A_207 : f32 to vector<256x4096xf32>
    %select_n3A_209 = arith.select %eq3A_206, %broadcast_in_dim3A_208, %select_n3A_193 : vector<256x4096xi1>, vector<256x4096xf32>
    %reduce_min3A_210 = arith.constant dense<0x7F800000> : vector<256xf32>
    %reduce_min3A_211 = vector.multi_reduction <minimumf>, %select_n3A_209, %reduce_min3A_210 [1] : vector<256x4096xf32> to vector<256xf32>
    %broadcast_in_dim3A_212 = vector.shape_cast %reduce_min3A_211 : vector<256xf32> to vector<256x1xf32>
    %eq3A_213 = vector.broadcast %broadcast_in_dim3A_212 : vector<256x1xf32> to vector<256x4096xf32>
    %eq3A_214 = arith.cmpf oeq, %select_n3A_209, %eq3A_213 : vector<256x4096xf32>
    %jit3A_215 = arith.constant 4.096000e+03 : f32
    %broadcast_in_dim3A_216 = vector.broadcast %jit3A_215 : f32 to vector<256x4096xf32>
    %select_n3A_217 = arith.select %eq3A_214, %convert_element_type3A, %broadcast_in_dim3A_216 : vector<256x4096xi1>, vector<256x4096xf32>
    %reduce_min3A_218 = arith.constant dense<0x7F800000> : vector<256xf32>
    %reduce_min3A_219 = vector.multi_reduction <minimumf>, %select_n3A_217, %reduce_min3A_218 [1] : vector<256x4096xf32> to vector<256xf32>
    %broadcast_in_dim3A_220 = vector.shape_cast %reduce_min3A_219 : vector<256xf32> to vector<256x1xf32>
    %eq3A_221 = vector.broadcast %broadcast_in_dim3A_220 : vector<256x1xf32> to vector<256x4096xf32>
    %eq3A_222 = arith.cmpf oeq, %convert_element_type3A, %eq3A_221 : vector<256x4096xf32>
    %jit3A_223 = arith.constant 3.400000e+38 : f32
    %broadcast_in_dim3A_224 = vector.broadcast %jit3A_223 : f32 to vector<256x4096xf32>
    %select_n3A_225 = arith.select %eq3A_222, %broadcast_in_dim3A_224, %select_n3A_209 : vector<256x4096xi1>, vector<256x4096xf32>
    %reduce_min3A_226 = arith.constant dense<0x7F800000> : vector<256xf32>
    %reduce_min3A_227 = vector.multi_reduction <minimumf>, %select_n3A_225, %reduce_min3A_226 [1] : vector<256x4096xf32> to vector<256xf32>
    %broadcast_in_dim3A_228 = vector.shape_cast %reduce_min3A_227 : vector<256xf32> to vector<256x1xf32>
    %eq3A_229 = vector.broadcast %broadcast_in_dim3A_228 : vector<256x1xf32> to vector<256x4096xf32>
    %eq3A_230 = arith.cmpf oeq, %select_n3A_225, %eq3A_229 : vector<256x4096xf32>
    %jit3A_231 = arith.constant 4.096000e+03 : f32
    %broadcast_in_dim3A_232 = vector.broadcast %jit3A_231 : f32 to vector<256x4096xf32>
    %select_n3A_233 = arith.select %eq3A_230, %convert_element_type3A, %broadcast_in_dim3A_232 : vector<256x4096xi1>, vector<256x4096xf32>
    %reduce_min3A_234 = arith.constant dense<0x7F800000> : vector<256xf32>
    %reduce_min3A_235 = vector.multi_reduction <minimumf>, %select_n3A_233, %reduce_min3A_234 [1] : vector<256x4096xf32> to vector<256xf32>
    %broadcast_in_dim3A_236 = vector.shape_cast %reduce_min3A_235 : vector<256xf32> to vector<256x1xf32>
    %eq3A_237 = vector.broadcast %broadcast_in_dim3A_236 : vector<256x1xf32> to vector<256x4096xf32>
    %eq3A_238 = arith.cmpf oeq, %convert_element_type3A, %eq3A_237 : vector<256x4096xf32>
    %jit3A_239 = arith.constant 3.400000e+38 : f32
    %broadcast_in_dim3A_240 = vector.broadcast %jit3A_239 : f32 to vector<256x4096xf32>
    %select_n3A_241 = arith.select %eq3A_238, %broadcast_in_dim3A_240, %select_n3A_225 : vector<256x4096xi1>, vector<256x4096xf32>
    %reduce_min3A_242 = arith.constant dense<0x7F800000> : vector<256xf32>
    %reduce_min3A_243 = vector.multi_reduction <minimumf>, %select_n3A_241, %reduce_min3A_242 [1] : vector<256x4096xf32> to vector<256xf32>
    %broadcast_in_dim3A_244 = vector.shape_cast %reduce_min3A_243 : vector<256xf32> to vector<256x1xf32>
    %eq3A_245 = vector.broadcast %broadcast_in_dim3A_244 : vector<256x1xf32> to vector<256x4096xf32>
    %eq3A_246 = arith.cmpf oeq, %select_n3A_241, %eq3A_245 : vector<256x4096xf32>
    %jit3A_247 = arith.constant 4.096000e+03 : f32
    %broadcast_in_dim3A_248 = vector.broadcast %jit3A_247 : f32 to vector<256x4096xf32>
    %select_n3A_249 = arith.select %eq3A_246, %convert_element_type3A, %broadcast_in_dim3A_248 : vector<256x4096xi1>, vector<256x4096xf32>
    %reduce_min3A_250 = arith.constant dense<0x7F800000> : vector<256xf32>
    %reduce_min3A_251 = vector.multi_reduction <minimumf>, %select_n3A_249, %reduce_min3A_250 [1] : vector<256x4096xf32> to vector<256xf32>
    %broadcast_in_dim3A_252 = vector.shape_cast %reduce_min3A_251 : vector<256xf32> to vector<256x1xf32>
    %eq3A_253 = vector.broadcast %broadcast_in_dim3A_252 : vector<256x1xf32> to vector<256x4096xf32>
    %eq3A_254 = arith.cmpf oeq, %convert_element_type3A, %eq3A_253 : vector<256x4096xf32>
    %jit3A_255 = arith.constant 3.400000e+38 : f32
    %broadcast_in_dim3A_256 = vector.broadcast %jit3A_255 : f32 to vector<256x4096xf32>
    %select_n3A_257 = arith.select %eq3A_254, %broadcast_in_dim3A_256, %select_n3A_241 : vector<256x4096xi1>, vector<256x4096xf32>
    %reduce_min3A_258 = arith.constant dense<0x7F800000> : vector<256xf32>
    %reduce_min3A_259 = vector.multi_reduction <minimumf>, %select_n3A_257, %reduce_min3A_258 [1] : vector<256x4096xf32> to vector<256xf32>
    %broadcast_in_dim3A_260 = vector.shape_cast %reduce_min3A_259 : vector<256xf32> to vector<256x1xf32>
    %eq3A_261 = vector.broadcast %broadcast_in_dim3A_260 : vector<256x1xf32> to vector<256x4096xf32>
    %eq3A_262 = arith.cmpf oeq, %select_n3A_257, %eq3A_261 : vector<256x4096xf32>
    %jit3A_263 = arith.constant 4.096000e+03 : f32
    %broadcast_in_dim3A_264 = vector.broadcast %jit3A_263 : f32 to vector<256x4096xf32>
    %select_n3A_265 = arith.select %eq3A_262, %convert_element_type3A, %broadcast_in_dim3A_264 : vector<256x4096xi1>, vector<256x4096xf32>
    %reduce_min3A_266 = arith.constant dense<0x7F800000> : vector<256xf32>
    %reduce_min3A_267 = vector.multi_reduction <minimumf>, %select_n3A_265, %reduce_min3A_266 [1] : vector<256x4096xf32> to vector<256xf32>
    %broadcast_in_dim3A_268 = vector.shape_cast %reduce_min3A_267 : vector<256xf32> to vector<256x1xf32>
    %concatenate3A = tpu.concatenate %broadcast_in_dim3A_28, %broadcast_in_dim3A_44, %broadcast_in_dim3A_60, %broadcast_in_dim3A_76, %broadcast_in_dim3A_92, %broadcast_in_dim3A_108, %broadcast_in_dim3A_124, %broadcast_in_dim3A_140, %broadcast_in_dim3A_156, %broadcast_in_dim3A_172, %broadcast_in_dim3A_188, %broadcast_in_dim3A_204, %broadcast_in_dim3A_220, %broadcast_in_dim3A_236, %broadcast_in_dim3A_252, %broadcast_in_dim3A_268 in 1 : vector<256x1xf32>, vector<256x1xf32>, vector<256x1xf32>, vector<256x1xf32>, vector<256x1xf32>, vector<256x1xf32>, vector<256x1xf32>, vector<256x1xf32>, vector<256x1xf32>, vector<256x1xf32>, vector<256x1xf32>, vector<256x1xf32>, vector<256x1xf32>, vector<256x1xf32>, vector<256x1xf32>, vector<256x1xf32> -> vector<256x16xf32>
    %convert_element_type3A_269 = arith.fptosi %concatenate3A : vector<256x16xf32> to vector<256x16xi32>
    %mul3A_270 = arith.constant 4096 : i32
    %mul3A_271 = arith.muli %arg0, %mul3A_270 : i32
    %add3A_272 = vector.broadcast %mul3A_271 : i32 to vector<256x16xi32>
    %add3A_273 = arith.addi %convert_element_type3A_269, %add3A_272 : vector<256x16xi32>
    %swap3A = arith.constant 0 : index
    %swap3A_274 = arith.constant 0 : index
    %swap3A_275 = arith.constant 0 : index
    %swap3A_276 = vector.load %arg4[%swap3A, %swap3A_274, %swap3A_275] : memref<1x256x16xi32, #tpu.memory_space<vmem>>, vector<1x256x16xi32>
    %swap3A_277 = vector.shape_cast %swap3A_276 : vector<1x256x16xi32> to vector<256x16xi32>
    %swap3A_278 = vector.shape_cast %add3A_273 : vector<256x16xi32> to vector<1x256x16xi32>
    tpu.vector_store %arg4[%swap3A, %swap3A_274, %swap3A_275], %swap3A_278 {strides = array<i32>} : memref<1x256x16xi32, #tpu.memory_space<vmem>>, vector<1x256x16xi32>,
    return
  }
  func.func @transform_0(%arg0: i32, %arg1: i32) -> (i32, i32, i32) {
    %c0_i32 = arith.constant 0 : i32
    %c0_i32_0 = arith.constant 0 : i32
    return %arg0, %arg1, %c0_i32 : i32, i32, i32
  }
  func.func @transform_1(%arg0: i32, %arg1: i32) -> (i32, i32, i32) {
    %c0_i32 = arith.constant 0 : i32
    %c0_i32_0 = arith.constant 0 : i32
    %c0_i32_1 = arith.constant 0 : i32
    return %arg0, %c0_i32, %c0_i32_0 : i32, i32, i32
  }
  func.func @transform_2(%arg0: i32, %arg1: i32) -> (i32, i32, i32) {
    %c0_i32 = arith.constant 0 : i32
    %c0_i32_0 = arith.constant 0 : i32
    return %arg0, %arg1, %c0_i32 : i32, i32, i32
  }
}

module attributes {stable_mosaic.version = 14 : i64} {
  func.func @_mlp_body(%arg0: i32, %arg1: memref<1024x16xf32, #tpu.memory_space<vmem>>, %arg2: memref<64x16xf32, #tpu.memory_space<vmem>>, %arg3: memref<16x32xf32, #tpu.memory_space<vmem>>, %arg4: memref<1x32xf32, #tpu.memory_space<vmem>>, %arg5: memref<1x32xf32, #tpu.memory_space<vmem>>, %arg6: memref<1x32xf32, #tpu.memory_space<vmem>>, %arg7: memref<32x64xf32, #tpu.memory_space<vmem>>, %arg8: memref<1x64xf32, #tpu.memory_space<vmem>>, %arg9: memref<1x64xf32, #tpu.memory_space<vmem>>, %arg10: memref<1x64xf32, #tpu.memory_space<vmem>>, %arg11: memref<64x128xf32, #tpu.memory_space<vmem>>, %arg12: memref<1x128xf32, #tpu.memory_space<vmem>>, %arg13: memref<1x128xf32, #tpu.memory_space<vmem>>, %arg14: memref<1x128xf32, #tpu.memory_space<vmem>>, %arg15: memref<128x128xf32, #tpu.memory_space<vmem>>, %arg16: memref<1x128xf32, #tpu.memory_space<vmem>>, %arg17: memref<1x128xf32, #tpu.memory_space<vmem>>, %arg18: memref<1x128xf32, #tpu.memory_space<vmem>>, %arg19: memref<128x128xf32, #tpu.memory_space<vmem>>, %arg20: memref<1x128xf32, #tpu.memory_space<vmem>>, %arg21: memref<64x128xf32, #tpu.memory_space<vmem>>) attributes {dimension_semantics = [#tpu.dimension_semantics<arbitrary>], iteration_bounds = array<i64: 64>, scalar_prefetch = 0 : i64, scratch_operands = 0 : i64, tpu.core_type = #tpu.core_type<tc>, window_params = [{transform_indices = @transform_0, window_bounds = array<i64: 1024, 16>}, {transform_indices = @transform_1, window_bounds = array<i64: 64, 16>}, {pipeline_mode = #tpu.pipeline_mode<synchronous>, transform_indices = @transform_2, window_bounds = array<i64: 16, 32>}, {pipeline_mode = #tpu.pipeline_mode<synchronous>, transform_indices = @transform_3, window_bounds = array<i64: 1, 32>}, {pipeline_mode = #tpu.pipeline_mode<synchronous>, transform_indices = @transform_4, window_bounds = array<i64: 1, 32>}, {pipeline_mode = #tpu.pipeline_mode<synchronous>, transform_indices = @transform_5, window_bounds = array<i64: 1, 32>}, {pipeline_mode = #tpu.pipeline_mode<synchronous>, transform_indices = @transform_6, window_bounds = array<i64: 32, 64>}, {pipeline_mode = #tpu.pipeline_mode<synchronous>, transform_indices = @transform_7, window_bounds = array<i64: 1, 64>}, {pipeline_mode = #tpu.pipeline_mode<synchronous>, transform_indices = @transform_8, window_bounds = array<i64: 1, 64>}, {pipeline_mode = #tpu.pipeline_mode<synchronous>, transform_indices = @transform_9, window_bounds = array<i64: 1, 64>}, {pipeline_mode = #tpu.pipeline_mode<synchronous>, transform_indices = @transform_10, window_bounds = array<i64: 64, 128>}, {pipeline_mode = #tpu.pipeline_mode<synchronous>, transform_indices = @transform_11, window_bounds = array<i64: 1, 128>}, {pipeline_mode = #tpu.pipeline_mode<synchronous>, transform_indices = @transform_12, window_bounds = array<i64: 1, 128>}, {pipeline_mode = #tpu.pipeline_mode<synchronous>, transform_indices = @transform_13, window_bounds = array<i64: 1, 128>}, {pipeline_mode = #tpu.pipeline_mode<synchronous>, transform_indices = @transform_14, window_bounds = array<i64: 128, 128>}, {pipeline_mode = #tpu.pipeline_mode<synchronous>, transform_indices = @transform_15, window_bounds = array<i64: 1, 128>}, {pipeline_mode = #tpu.pipeline_mode<synchronous>, transform_indices = @transform_16, window_bounds = array<i64: 1, 128>}, {pipeline_mode = #tpu.pipeline_mode<synchronous>, transform_indices = @transform_17, window_bounds = array<i64: 1, 128>}, {pipeline_mode = #tpu.pipeline_mode<synchronous>, transform_indices = @transform_18, window_bounds = array<i64: 128, 128>}, {pipeline_mode = #tpu.pipeline_mode<synchronous>, transform_indices = @transform_19, window_bounds = array<i64: 1, 128>}, {transform_indices = @transform_20, window_bounds = array<i64: 64, 128>}]} {
    %get3A = arith.constant 0 : index
    %get3A_0 = arith.constant 0 : index
    %get3A_1 = vector.load %arg1[%get3A, %get3A_0] : memref<1024x16xf32, #tpu.memory_space<vmem>>, vector<1024x16xf32>
    %get3A_2 = arith.constant 0 : index
    %get3A_3 = arith.constant 0 : index
    %get3A_4 = vector.load %arg2[%get3A_2, %get3A_3] : memref<64x16xf32, #tpu.memory_space<vmem>>, vector<64x16xf32>
    %broadcast_in_dim3A = vector.shape_cast %get3A_4 : vector<64x16xf32> to vector<64x1x16xf32>
    %broadcast_in_dim3A_5 = vector.shape_cast %broadcast_in_dim3A : vector<64x1x16xf32> to vector<64x1x16xf32>
    %broadcast_in_dim3A_6 = vector.broadcast %broadcast_in_dim3A_5 : vector<64x1x16xf32> to vector<64x16x16xf32>
    %reshape3A = vector.shape_cast %broadcast_in_dim3A_6 : vector<64x16x16xf32> to vector<1024x16xf32>
    %sub3A = arith.subf %get3A_1, %reshape3A : vector<1024x16xf32>
    %broadcast_in_dim3A_7 = arith.constant 1.000000e+00 : f32
    %broadcast_in_dim3A_8 = vector.broadcast %broadcast_in_dim3A_7 : f32 to vector<16x8xf32>
    %mul3A = arith.mulf %sub3A, %sub3A : vector<1024x16xf32>
    %dot_general3A = arith.constant dense<0.000000e+00> : vector<1024x8xf32>
    %dot_general3A_9 = tpu.matmul %mul3A, %broadcast_in_dim3A_8, %dot_general3A {dimension_numbers = #tpu.dot_dimension_numbers<[1], [0], [0], [1], [0, 0, 1, 1], [], []>, precision = #tpu.contract_precision<fp32>, transpose_lhs_hint = false} : vector<1024x16xf32>, vector<16x8xf32>, vector<1024x8xf32> -> vector<1024x8xf32>
    %slice3A = vector.extract_strided_slice %dot_general3A_9 {offsets = [0, 0], sizes = [1024, 1], strides = [1, 1]} : vector<1024x8xf32> to vector<1024x1xf32>
    %add3A = arith.constant 9.99999996E-13 : f32
    %add3A_10 = vector.broadcast %add3A : f32 to vector<1024x1xf32>
    %add3A_11 = arith.addf %slice3A, %add3A_10 : vector<1024x1xf32>
    %sqrt3A = math.sqrt %add3A_11 : vector<1024x1xf32>
    %add3A_12 = arith.constant 9.99999997E-7 : f32
    %add3A_13 = vector.broadcast %add3A_12 : f32 to vector<1024x1xf32>
    %add3A_14 = arith.addf %sqrt3A, %add3A_13 : vector<1024x1xf32>
    %div3A = vector.broadcast %add3A_14 : vector<1024x1xf32> to vector<1024x16xf32>
    %div3A_15 = arith.divf %sub3A, %div3A : vector<1024x16xf32>
    %slice3A_16 = vector.extract_strided_slice %sub3A {offsets = [0, 0], sizes = [1024, 3], strides = [1, 1]} : vector<1024x16xf32> to vector<1024x3xf32>
    %slice3A_17 = vector.extract_strided_slice %div3A_15 {offsets = [0, 0], sizes = [1024, 3], strides = [1, 1]} : vector<1024x16xf32> to vector<1024x3xf32>
    %slice3A_18 = vector.extract_strided_slice %div3A_15 {offsets = [0, 0], sizes = [1024, 1], strides = [1, 1]} : vector<1024x16xf32> to vector<1024x1xf32>
    %slice3A_19 = vector.extract_strided_slice %div3A_15 {offsets = [0, 1], sizes = [1024, 1], strides = [1, 1]} : vector<1024x16xf32> to vector<1024x1xf32>
    %slice3A_20 = vector.extract_strided_slice %div3A_15 {offsets = [0, 2], sizes = [1024, 1], strides = [1, 1]} : vector<1024x16xf32> to vector<1024x1xf32>
    %concatenate3A = tpu.concatenate %slice3A_19, %slice3A_20, %slice3A_20 in 1 : vector<1024x1xf32>, vector<1024x1xf32>, vector<1024x1xf32> -> vector<1024x3xf32>
    %concatenate3A_21 = tpu.concatenate %slice3A_18, %slice3A_18, %slice3A_19 in 1 : vector<1024x1xf32>, vector<1024x1xf32>, vector<1024x1xf32> -> vector<1024x3xf32>
    %abs3A = math.absf %concatenate3A_21 : vector<1024x3xf32>
    %lt3A = arith.constant 9.99999971E-10 : f32
    %lt3A_22 = vector.broadcast %lt3A : f32 to vector<1024x3xf32>
    %lt3A_23 = arith.cmpf olt, %abs3A, %lt3A_22 : vector<1024x3xf32>
    %abs3A_24 = math.absf %concatenate3A : vector<1024x3xf32>
    %lt3A_25 = arith.constant 9.99999971E-10 : f32
    %lt3A_26 = vector.broadcast %lt3A_25 : f32 to vector<1024x3xf32>
    %lt3A_27 = arith.cmpf olt, %abs3A_24, %lt3A_26 : vector<1024x3xf32>
    %and3A = arith.andi %lt3A_23, %lt3A_27 : vector<1024x3xi1>
    %jit3A = arith.constant 1.000000e+00 : f32
    %broadcast_in_dim3A_28 = vector.broadcast %jit3A : f32 to vector<1024x3xf32>
    %select_n3A = arith.select %and3A, %broadcast_in_dim3A_28, %concatenate3A_21 : vector<1024x3xi1>, vector<1024x3xf32>
    %jit3A_29 = arith.constant 0.000000e+00 : f32
    %broadcast_in_dim3A_30 = vector.broadcast %jit3A_29 : f32 to vector<1024x3xf32>
    %select_n3A_31 = arith.select %and3A, %broadcast_in_dim3A_30, %concatenate3A : vector<1024x3xi1>, vector<1024x3xf32>
    %atan23A = math.atan2 %select_n3A_31, %select_n3A : vector<1024x3xf32>
    %broadcast_in_dim3A_32 = arith.constant 0.000000e+00 : f32
    %broadcast_in_dim3A_33 = vector.broadcast %broadcast_in_dim3A_32 : f32 to vector<1024x6xf32>
    %concatenate3A_34 = tpu.concatenate %sqrt3A, %slice3A_16, %atan23A, %slice3A_17, %broadcast_in_dim3A_33 in 1 : vector<1024x1xf32>, vector<1024x3xf32>, vector<1024x3xf32>, vector<1024x3xf32>, vector<1024x6xf32> -> vector<1024x16xf32>
    %get3A_35 = arith.constant 0 : index
    %get3A_36 = arith.constant 0 : index
    %get3A_37 = vector.load %arg3[%get3A_35, %get3A_36] : memref<16x32xf32, #tpu.memory_space<vmem>>, vector<16x32xf32>
    %dot_general3A_38 = arith.constant dense<0.000000e+00> : vector<1024x32xf32>
    %dot_general3A_39 = tpu.matmul %concatenate3A_34, %get3A_37, %dot_general3A_38 {dimension_numbers = #tpu.dot_dimension_numbers<[1], [0], [0], [1], [0, 0, 1, 1], [], []>, transpose_lhs_hint = false} : vector<1024x16xf32>, vector<16x32xf32>, vector<1024x32xf32> -> vector<1024x32xf32>
    %get3A_40 = arith.constant 0 : index
    %get3A_41 = arith.constant 0 : index
    %get3A_42 = vector.load %arg4[%get3A_40, %get3A_41] : memref<1x32xf32, #tpu.memory_space<vmem>>, vector<1x32xf32>
    %add3A_43 = vector.broadcast %get3A_42 : vector<1x32xf32> to vector<1024x32xf32>
    %add3A_44 = arith.addf %dot_general3A_39, %add3A_43 : vector<1024x32xf32>
    %get3A_45 = arith.constant 0 : index
    %get3A_46 = arith.constant 0 : index
    %get3A_47 = vector.load %arg5[%get3A_45, %get3A_46] : memref<1x32xf32, #tpu.memory_space<vmem>>, vector<1x32xf32>
    %get3A_48 = arith.constant 0 : index
    %get3A_49 = arith.constant 0 : index
    %get3A_50 = vector.load %arg6[%get3A_48, %get3A_49] : memref<1x32xf32, #tpu.memory_space<vmem>>, vector<1x32xf32>
    %reduce_sum3A = arith.constant dense<0.000000e+00> : vector<1024xf32>
    %reduce_sum3A_51 = vector.multi_reduction <add>, %add3A_44, %reduce_sum3A [1] : vector<1024x32xf32> to vector<1024xf32>
    %broadcast_in_dim3A_52 = vector.shape_cast %reduce_sum3A_51 : vector<1024xf32> to vector<1024x1xf32>
    %div3A_53 = arith.constant 3.200000e+01 : f32
    %div3A_54 = vector.broadcast %div3A_53 : f32 to vector<1024x1xf32>
    %div3A_55 = arith.divf %broadcast_in_dim3A_52, %div3A_54 : vector<1024x1xf32>
    %sub3A_56 = vector.broadcast %div3A_55 : vector<1024x1xf32> to vector<1024x32xf32>
    %sub3A_57 = arith.subf %add3A_44, %sub3A_56 : vector<1024x32xf32>
    %integer_pow3A = arith.mulf %sub3A_57, %sub3A_57 : vector<1024x32xf32>
    %reduce_sum3A_58 = arith.constant dense<0.000000e+00> : vector<1024xf32>
    %reduce_sum3A_59 = vector.multi_reduction <add>, %integer_pow3A, %reduce_sum3A_58 [1] : vector<1024x32xf32> to vector<1024xf32>
    %broadcast_in_dim3A_60 = vector.shape_cast %reduce_sum3A_59 : vector<1024xf32> to vector<1024x1xf32>
    %div3A_61 = arith.constant 3.200000e+01 : f32
    %div3A_62 = vector.broadcast %div3A_61 : f32 to vector<1024x1xf32>
    %div3A_63 = arith.divf %broadcast_in_dim3A_60, %div3A_62 : vector<1024x1xf32>
    %sub3A_64 = vector.broadcast %div3A_55 : vector<1024x1xf32> to vector<1024x32xf32>
    %sub3A_65 = arith.subf %add3A_44, %sub3A_64 : vector<1024x32xf32>
    %add3A_66 = arith.constant 9.99999974E-6 : f32
    %add3A_67 = vector.broadcast %add3A_66 : f32 to vector<1024x1xf32>
    %add3A_68 = arith.addf %div3A_63, %add3A_67 : vector<1024x1xf32>
    %sqrt3A_69 = math.sqrt %add3A_68 : vector<1024x1xf32>
    %div3A_70 = vector.broadcast %sqrt3A_69 : vector<1024x1xf32> to vector<1024x32xf32>
    %div3A_71 = arith.divf %sub3A_65, %div3A_70 : vector<1024x32xf32>
    %mul3A_72 = vector.broadcast %get3A_47 : vector<1x32xf32> to vector<1024x32xf32>
    %mul3A_73 = arith.mulf %div3A_71, %mul3A_72 : vector<1024x32xf32>
    %add3A_74 = vector.broadcast %get3A_50 : vector<1x32xf32> to vector<1024x32xf32>
    %add3A_75 = arith.addf %mul3A_73, %add3A_74 : vector<1024x32xf32>
    %max3A = arith.constant 0.000000e+00 : f32
    %max3A_76 = vector.broadcast %max3A : f32 to vector<1024x32xf32>
    %max3A_77 = arith.maximumf %add3A_75, %max3A_76 : vector<1024x32xf32>
    %get3A_78 = arith.constant 0 : index
    %get3A_79 = arith.constant 0 : index
    %get3A_80 = vector.load %arg7[%get3A_78, %get3A_79] : memref<32x64xf32, #tpu.memory_space<vmem>>, vector<32x64xf32>
    %dot_general3A_81 = arith.constant dense<0.000000e+00> : vector<1024x64xf32>
    %dot_general3A_82 = tpu.matmul %max3A_77, %get3A_80, %dot_general3A_81 {dimension_numbers = #tpu.dot_dimension_numbers<[1], [0], [0], [1], [0, 0, 1, 1], [], []>, transpose_lhs_hint = false} : vector<1024x32xf32>, vector<32x64xf32>, vector<1024x64xf32> -> vector<1024x64xf32>
    %get3A_83 = arith.constant 0 : index
    %get3A_84 = arith.constant 0 : index
    %get3A_85 = vector.load %arg8[%get3A_83, %get3A_84] : memref<1x64xf32, #tpu.memory_space<vmem>>, vector<1x64xf32>
    %add3A_86 = vector.broadcast %get3A_85 : vector<1x64xf32> to vector<1024x64xf32>
    %add3A_87 = arith.addf %dot_general3A_82, %add3A_86 : vector<1024x64xf32>
    %get3A_88 = arith.constant 0 : index
    %get3A_89 = arith.constant 0 : index
    %get3A_90 = vector.load %arg9[%get3A_88, %get3A_89] : memref<1x64xf32, #tpu.memory_space<vmem>>, vector<1x64xf32>
    %get3A_91 = arith.constant 0 : index
    %get3A_92 = arith.constant 0 : index
    %get3A_93 = vector.load %arg10[%get3A_91, %get3A_92] : memref<1x64xf32, #tpu.memory_space<vmem>>, vector<1x64xf32>
    %reduce_sum3A_94 = arith.constant dense<0.000000e+00> : vector<1024xf32>
    %reduce_sum3A_95 = vector.multi_reduction <add>, %add3A_87, %reduce_sum3A_94 [1] : vector<1024x64xf32> to vector<1024xf32>
    %broadcast_in_dim3A_96 = vector.shape_cast %reduce_sum3A_95 : vector<1024xf32> to vector<1024x1xf32>
    %div3A_97 = arith.constant 6.400000e+01 : f32
    %div3A_98 = vector.broadcast %div3A_97 : f32 to vector<1024x1xf32>
    %div3A_99 = arith.divf %broadcast_in_dim3A_96, %div3A_98 : vector<1024x1xf32>
    %sub3A_100 = vector.broadcast %div3A_99 : vector<1024x1xf32> to vector<1024x64xf32>
    %sub3A_101 = arith.subf %add3A_87, %sub3A_100 : vector<1024x64xf32>
    %integer_pow3A_102 = arith.mulf %sub3A_101, %sub3A_101 : vector<1024x64xf32>
    %reduce_sum3A_103 = arith.constant dense<0.000000e+00> : vector<1024xf32>
    %reduce_sum3A_104 = vector.multi_reduction <add>, %integer_pow3A_102, %reduce_sum3A_103 [1] : vector<1024x64xf32> to vector<1024xf32>
    %broadcast_in_dim3A_105 = vector.shape_cast %reduce_sum3A_104 : vector<1024xf32> to vector<1024x1xf32>
    %div3A_106 = arith.constant 6.400000e+01 : f32
    %div3A_107 = vector.broadcast %div3A_106 : f32 to vector<1024x1xf32>
    %div3A_108 = arith.divf %broadcast_in_dim3A_105, %div3A_107 : vector<1024x1xf32>
    %sub3A_109 = vector.broadcast %div3A_99 : vector<1024x1xf32> to vector<1024x64xf32>
    %sub3A_110 = arith.subf %add3A_87, %sub3A_109 : vector<1024x64xf32>
    %add3A_111 = arith.constant 9.99999974E-6 : f32
    %add3A_112 = vector.broadcast %add3A_111 : f32 to vector<1024x1xf32>
    %add3A_113 = arith.addf %div3A_108, %add3A_112 : vector<1024x1xf32>
    %sqrt3A_114 = math.sqrt %add3A_113 : vector<1024x1xf32>
    %div3A_115 = vector.broadcast %sqrt3A_114 : vector<1024x1xf32> to vector<1024x64xf32>
    %div3A_116 = arith.divf %sub3A_110, %div3A_115 : vector<1024x64xf32>
    %mul3A_117 = vector.broadcast %get3A_90 : vector<1x64xf32> to vector<1024x64xf32>
    %mul3A_118 = arith.mulf %div3A_116, %mul3A_117 : vector<1024x64xf32>
    %add3A_119 = vector.broadcast %get3A_93 : vector<1x64xf32> to vector<1024x64xf32>
    %add3A_120 = arith.addf %mul3A_118, %add3A_119 : vector<1024x64xf32>
    %max3A_121 = arith.constant 0.000000e+00 : f32
    %max3A_122 = vector.broadcast %max3A_121 : f32 to vector<1024x64xf32>
    %max3A_123 = arith.maximumf %add3A_120, %max3A_122 : vector<1024x64xf32>
    %get3A_124 = arith.constant 0 : index
    %get3A_125 = arith.constant 0 : index
    %get3A_126 = vector.load %arg11[%get3A_124, %get3A_125] : memref<64x128xf32, #tpu.memory_space<vmem>>, vector<64x128xf32>
    %dot_general3A_127 = arith.constant dense<0.000000e+00> : vector<1024x128xf32>
    %dot_general3A_128 = tpu.matmul %max3A_123, %get3A_126, %dot_general3A_127 {dimension_numbers = #tpu.dot_dimension_numbers<[1], [0], [0], [1], [0, 0, 1, 1], [], []>, transpose_lhs_hint = false} : vector<1024x64xf32>, vector<64x128xf32>, vector<1024x128xf32> -> vector<1024x128xf32>
    %get3A_129 = arith.constant 0 : index
    %get3A_130 = arith.constant 0 : index
    %get3A_131 = vector.load %arg12[%get3A_129, %get3A_130] : memref<1x128xf32, #tpu.memory_space<vmem>>, vector<1x128xf32>
    %add3A_132 = vector.broadcast %get3A_131 : vector<1x128xf32> to vector<1024x128xf32>
    %add3A_133 = arith.addf %dot_general3A_128, %add3A_132 : vector<1024x128xf32>
    %get3A_134 = arith.constant 0 : index
    %get3A_135 = arith.constant 0 : index
    %get3A_136 = vector.load %arg13[%get3A_134, %get3A_135] : memref<1x128xf32, #tpu.memory_space<vmem>>, vector<1x128xf32>
    %get3A_137 = arith.constant 0 : index
    %get3A_138 = arith.constant 0 : index
    %get3A_139 = vector.load %arg14[%get3A_137, %get3A_138] : memref<1x128xf32, #tpu.memory_space<vmem>>, vector<1x128xf32>
    %reduce_sum3A_140 = arith.constant dense<0.000000e+00> : vector<1024xf32>
    %reduce_sum3A_141 = vector.multi_reduction <add>, %add3A_133, %reduce_sum3A_140 [1] : vector<1024x128xf32> to vector<1024xf32>
    %broadcast_in_dim3A_142 = vector.shape_cast %reduce_sum3A_141 : vector<1024xf32> to vector<1024x1xf32>
    %div3A_143 = arith.constant 1.280000e+02 : f32
    %div3A_144 = vector.broadcast %div3A_143 : f32 to vector<1024x1xf32>
    %div3A_145 = arith.divf %broadcast_in_dim3A_142, %div3A_144 : vector<1024x1xf32>
    %sub3A_146 = vector.broadcast %div3A_145 : vector<1024x1xf32> to vector<1024x128xf32>
    %sub3A_147 = arith.subf %add3A_133, %sub3A_146 : vector<1024x128xf32>
    %integer_pow3A_148 = arith.mulf %sub3A_147, %sub3A_147 : vector<1024x128xf32>
    %reduce_sum3A_149 = arith.constant dense<0.000000e+00> : vector<1024xf32>
    %reduce_sum3A_150 = vector.multi_reduction <add>, %integer_pow3A_148, %reduce_sum3A_149 [1] : vector<1024x128xf32> to vector<1024xf32>
    %broadcast_in_dim3A_151 = vector.shape_cast %reduce_sum3A_150 : vector<1024xf32> to vector<1024x1xf32>
    %div3A_152 = arith.constant 1.280000e+02 : f32
    %div3A_153 = vector.broadcast %div3A_152 : f32 to vector<1024x1xf32>
    %div3A_154 = arith.divf %broadcast_in_dim3A_151, %div3A_153 : vector<1024x1xf32>
    %sub3A_155 = vector.broadcast %div3A_145 : vector<1024x1xf32> to vector<1024x128xf32>
    %sub3A_156 = arith.subf %add3A_133, %sub3A_155 : vector<1024x128xf32>
    %add3A_157 = arith.constant 9.99999974E-6 : f32
    %add3A_158 = vector.broadcast %add3A_157 : f32 to vector<1024x1xf32>
    %add3A_159 = arith.addf %div3A_154, %add3A_158 : vector<1024x1xf32>
    %sqrt3A_160 = math.sqrt %add3A_159 : vector<1024x1xf32>
    %div3A_161 = vector.broadcast %sqrt3A_160 : vector<1024x1xf32> to vector<1024x128xf32>
    %div3A_162 = arith.divf %sub3A_156, %div3A_161 : vector<1024x128xf32>
    %mul3A_163 = vector.broadcast %get3A_136 : vector<1x128xf32> to vector<1024x128xf32>
    %mul3A_164 = arith.mulf %div3A_162, %mul3A_163 : vector<1024x128xf32>
    %add3A_165 = vector.broadcast %get3A_139 : vector<1x128xf32> to vector<1024x128xf32>
    %add3A_166 = arith.addf %mul3A_164, %add3A_165 : vector<1024x128xf32>
    %reshape3A_167 = vector.shape_cast %add3A_166 : vector<1024x128xf32> to vector<64x16x128xf32>
    %reduce_sum3A_168 = arith.constant dense<0.000000e+00> : vector<64x128xf32>
    %reduce_sum3A_169 = vector.multi_reduction <add>, %reshape3A_167, %reduce_sum3A_168 [1] : vector<64x16x128xf32> to vector<64x128xf32>
    %div3A_170 = arith.constant 1.600000e+01 : f32
    %div3A_171 = vector.broadcast %div3A_170 : f32 to vector<64x128xf32>
    %div3A_172 = arith.divf %reduce_sum3A_169, %div3A_171 : vector<64x128xf32>
    %get3A_173 = arith.constant 0 : index
    %get3A_174 = arith.constant 0 : index
    %get3A_175 = vector.load %arg15[%get3A_173, %get3A_174] : memref<128x128xf32, #tpu.memory_space<vmem>>, vector<128x128xf32>
    %dot_general3A_176 = arith.constant dense<0.000000e+00> : vector<64x128xf32>
    %dot_general3A_177 = tpu.matmul %div3A_172, %get3A_175, %dot_general3A_176 {dimension_numbers = #tpu.dot_dimension_numbers<[1], [0], [0], [1], [0, 0, 1, 1], [], []>, transpose_lhs_hint = false} : vector<64x128xf32>, vector<128x128xf32>, vector<64x128xf32> -> vector<64x128xf32>
    %get3A_178 = arith.constant 0 : index
    %get3A_179 = arith.constant 0 : index
    %get3A_180 = vector.load %arg16[%get3A_178, %get3A_179] : memref<1x128xf32, #tpu.memory_space<vmem>>, vector<1x128xf32>
    %add3A_181 = vector.broadcast %get3A_180 : vector<1x128xf32> to vector<64x128xf32>
    %add3A_182 = arith.addf %dot_general3A_177, %add3A_181 : vector<64x128xf32>
    %get3A_183 = arith.constant 0 : index
    %get3A_184 = arith.constant 0 : index
    %get3A_185 = vector.load %arg17[%get3A_183, %get3A_184] : memref<1x128xf32, #tpu.memory_space<vmem>>, vector<1x128xf32>
    %get3A_186 = arith.constant 0 : index
    %get3A_187 = arith.constant 0 : index
    %get3A_188 = vector.load %arg18[%get3A_186, %get3A_187] : memref<1x128xf32, #tpu.memory_space<vmem>>, vector<1x128xf32>
    %reduce_sum3A_189 = arith.constant dense<0.000000e+00> : vector<64xf32>
    %reduce_sum3A_190 = vector.multi_reduction <add>, %add3A_182, %reduce_sum3A_189 [1] : vector<64x128xf32> to vector<64xf32>
    %broadcast_in_dim3A_191 = vector.shape_cast %reduce_sum3A_190 : vector<64xf32> to vector<64x1xf32>
    %div3A_192 = arith.constant 1.280000e+02 : f32
    %div3A_193 = vector.broadcast %div3A_192 : f32 to vector<64x1xf32>
    %div3A_194 = arith.divf %broadcast_in_dim3A_191, %div3A_193 : vector<64x1xf32>
    %sub3A_195 = vector.broadcast %div3A_194 : vector<64x1xf32> to vector<64x128xf32>
    %sub3A_196 = arith.subf %add3A_182, %sub3A_195 : vector<64x128xf32>
    %integer_pow3A_197 = arith.mulf %sub3A_196, %sub3A_196 : vector<64x128xf32>
    %reduce_sum3A_198 = arith.constant dense<0.000000e+00> : vector<64xf32>
    %reduce_sum3A_199 = vector.multi_reduction <add>, %integer_pow3A_197, %reduce_sum3A_198 [1] : vector<64x128xf32> to vector<64xf32>
    %broadcast_in_dim3A_200 = vector.shape_cast %reduce_sum3A_199 : vector<64xf32> to vector<64x1xf32>
    %div3A_201 = arith.constant 1.280000e+02 : f32
    %div3A_202 = vector.broadcast %div3A_201 : f32 to vector<64x1xf32>
    %div3A_203 = arith.divf %broadcast_in_dim3A_200, %div3A_202 : vector<64x1xf32>
    %sub3A_204 = vector.broadcast %div3A_194 : vector<64x1xf32> to vector<64x128xf32>
    %sub3A_205 = arith.subf %add3A_182, %sub3A_204 : vector<64x128xf32>
    %add3A_206 = arith.constant 9.99999974E-6 : f32
    %add3A_207 = vector.broadcast %add3A_206 : f32 to vector<64x1xf32>
    %add3A_208 = arith.addf %div3A_203, %add3A_207 : vector<64x1xf32>
    %sqrt3A_209 = math.sqrt %add3A_208 : vector<64x1xf32>
    %div3A_210 = vector.broadcast %sqrt3A_209 : vector<64x1xf32> to vector<64x128xf32>
    %div3A_211 = arith.divf %sub3A_205, %div3A_210 : vector<64x128xf32>
    %mul3A_212 = vector.broadcast %get3A_185 : vector<1x128xf32> to vector<64x128xf32>
    %mul3A_213 = arith.mulf %div3A_211, %mul3A_212 : vector<64x128xf32>
    %add3A_214 = vector.broadcast %get3A_188 : vector<1x128xf32> to vector<64x128xf32>
    %add3A_215 = arith.addf %mul3A_213, %add3A_214 : vector<64x128xf32>
    %max3A_216 = arith.constant 0.000000e+00 : f32
    %max3A_217 = vector.broadcast %max3A_216 : f32 to vector<64x128xf32>
    %max3A_218 = arith.maximumf %add3A_215, %max3A_217 : vector<64x128xf32>
    %get3A_219 = arith.constant 0 : index
    %get3A_220 = arith.constant 0 : index
    %get3A_221 = vector.load %arg19[%get3A_219, %get3A_220] : memref<128x128xf32, #tpu.memory_space<vmem>>, vector<128x128xf32>
    %dot_general3A_222 = arith.constant dense<0.000000e+00> : vector<64x128xf32>
    %dot_general3A_223 = tpu.matmul %max3A_218, %get3A_221, %dot_general3A_222 {dimension_numbers = #tpu.dot_dimension_numbers<[1], [0], [0], [1], [0, 0, 1, 1], [], []>, transpose_lhs_hint = false} : vector<64x128xf32>, vector<128x128xf32>, vector<64x128xf32> -> vector<64x128xf32>
    %get3A_224 = arith.constant 0 : index
    %get3A_225 = arith.constant 0 : index
    %get3A_226 = vector.load %arg20[%get3A_224, %get3A_225] : memref<1x128xf32, #tpu.memory_space<vmem>>, vector<1x128xf32>
    %add3A_227 = vector.broadcast %get3A_226 : vector<1x128xf32> to vector<64x128xf32>
    %add3A_228 = arith.addf %dot_general3A_223, %add3A_227 : vector<64x128xf32>
    %swap3A = arith.constant 0 : index
    %swap3A_229 = arith.constant 0 : index
    %swap3A_230 = vector.load %arg21[%swap3A, %swap3A_229] : memref<64x128xf32, #tpu.memory_space<vmem>>, vector<64x128xf32>
    tpu.vector_store %arg21[%swap3A, %swap3A_229], %add3A_228 {strides = array<i32>} : memref<64x128xf32, #tpu.memory_space<vmem>>, vector<64x128xf32>,
    return
  }
  func.func @transform_0(%arg0: i32) -> (i32, i32) {
    %c0_i32 = arith.constant 0 : i32
    %c0_i32_0 = arith.constant 0 : i32
    return %arg0, %c0_i32 : i32, i32
  }
  func.func @transform_1(%arg0: i32) -> (i32, i32) {
    %c0_i32 = arith.constant 0 : i32
    %c0_i32_0 = arith.constant 0 : i32
    return %arg0, %c0_i32 : i32, i32
  }
  func.func @transform_2(%arg0: i32) -> (i32, i32) {
    %c0_i32 = arith.constant 0 : i32
    %c0_i32_0 = arith.constant 0 : i32
    %c0_i32_1 = arith.constant 0 : i32
    return %c0_i32, %c0_i32_0 : i32, i32
  }
  func.func @transform_3(%arg0: i32) -> (i32, i32) {
    %c0_i32 = arith.constant 0 : i32
    %c0_i32_0 = arith.constant 0 : i32
    %c0_i32_1 = arith.constant 0 : i32
    return %c0_i32, %c0_i32_0 : i32, i32
  }
  func.func @transform_4(%arg0: i32) -> (i32, i32) {
    %c0_i32 = arith.constant 0 : i32
    %c0_i32_0 = arith.constant 0 : i32
    %c0_i32_1 = arith.constant 0 : i32
    return %c0_i32, %c0_i32_0 : i32, i32
  }
  func.func @transform_5(%arg0: i32) -> (i32, i32) {
    %c0_i32 = arith.constant 0 : i32
    %c0_i32_0 = arith.constant 0 : i32
    %c0_i32_1 = arith.constant 0 : i32
    return %c0_i32, %c0_i32_0 : i32, i32
  }
  func.func @transform_6(%arg0: i32) -> (i32, i32) {
    %c0_i32 = arith.constant 0 : i32
    %c0_i32_0 = arith.constant 0 : i32
    %c0_i32_1 = arith.constant 0 : i32
    return %c0_i32, %c0_i32_0 : i32, i32
  }
  func.func @transform_7(%arg0: i32) -> (i32, i32) {
    %c0_i32 = arith.constant 0 : i32
    %c0_i32_0 = arith.constant 0 : i32
    %c0_i32_1 = arith.constant 0 : i32
    return %c0_i32, %c0_i32_0 : i32, i32
  }
  func.func @transform_8(%arg0: i32) -> (i32, i32) {
    %c0_i32 = arith.constant 0 : i32
    %c0_i32_0 = arith.constant 0 : i32
    %c0_i32_1 = arith.constant 0 : i32
    return %c0_i32, %c0_i32_0 : i32, i32
  }
  func.func @transform_9(%arg0: i32) -> (i32, i32) {
    %c0_i32 = arith.constant 0 : i32
    %c0_i32_0 = arith.constant 0 : i32
    %c0_i32_1 = arith.constant 0 : i32
    return %c0_i32, %c0_i32_0 : i32, i32
  }
  func.func @transform_10(%arg0: i32) -> (i32, i32) {
    %c0_i32 = arith.constant 0 : i32
    %c0_i32_0 = arith.constant 0 : i32
    %c0_i32_1 = arith.constant 0 : i32
    return %c0_i32, %c0_i32_0 : i32, i32
  }
  func.func @transform_11(%arg0: i32) -> (i32, i32) {
    %c0_i32 = arith.constant 0 : i32
    %c0_i32_0 = arith.constant 0 : i32
    %c0_i32_1 = arith.constant 0 : i32
    return %c0_i32, %c0_i32_0 : i32, i32
  }
  func.func @transform_12(%arg0: i32) -> (i32, i32) {
    %c0_i32 = arith.constant 0 : i32
    %c0_i32_0 = arith.constant 0 : i32
    %c0_i32_1 = arith.constant 0 : i32
    return %c0_i32, %c0_i32_0 : i32, i32
  }
  func.func @transform_13(%arg0: i32) -> (i32, i32) {
    %c0_i32 = arith.constant 0 : i32
    %c0_i32_0 = arith.constant 0 : i32
    %c0_i32_1 = arith.constant 0 : i32
    return %c0_i32, %c0_i32_0 : i32, i32
  }
  func.func @transform_14(%arg0: i32) -> (i32, i32) {
    %c0_i32 = arith.constant 0 : i32
    %c0_i32_0 = arith.constant 0 : i32
    %c0_i32_1 = arith.constant 0 : i32
    return %c0_i32, %c0_i32_0 : i32, i32
  }
  func.func @transform_15(%arg0: i32) -> (i32, i32) {
    %c0_i32 = arith.constant 0 : i32
    %c0_i32_0 = arith.constant 0 : i32
    %c0_i32_1 = arith.constant 0 : i32
    return %c0_i32, %c0_i32_0 : i32, i32
  }
  func.func @transform_16(%arg0: i32) -> (i32, i32) {
    %c0_i32 = arith.constant 0 : i32
    %c0_i32_0 = arith.constant 0 : i32
    %c0_i32_1 = arith.constant 0 : i32
    return %c0_i32, %c0_i32_0 : i32, i32
  }
  func.func @transform_17(%arg0: i32) -> (i32, i32) {
    %c0_i32 = arith.constant 0 : i32
    %c0_i32_0 = arith.constant 0 : i32
    %c0_i32_1 = arith.constant 0 : i32
    return %c0_i32, %c0_i32_0 : i32, i32
  }
  func.func @transform_18(%arg0: i32) -> (i32, i32) {
    %c0_i32 = arith.constant 0 : i32
    %c0_i32_0 = arith.constant 0 : i32
    %c0_i32_1 = arith.constant 0 : i32
    return %c0_i32, %c0_i32_0 : i32, i32
  }
  func.func @transform_19(%arg0: i32) -> (i32, i32) {
    %c0_i32 = arith.constant 0 : i32
    %c0_i32_0 = arith.constant 0 : i32
    %c0_i32_1 = arith.constant 0 : i32
    return %c0_i32, %c0_i32_0 : i32, i32
  }
  func.func @transform_20(%arg0: i32) -> (i32, i32) {
    %c0_i32 = arith.constant 0 : i32
    %c0_i32_0 = arith.constant 0 : i32
    return %arg0, %c0_i32 : i32, i32
  }
}

</mosaic_0001>

<sc_bundles>
// kernel: kernel.11.cloned.1.call-start
scs
__scs_entry_jumppad:
0x0: {  	(pc) =	sbr.rel $0x88, $3  }
0x1: {  	(tag) =	ssettag $0x0;
	lr =	simm.s32 $0x1  }
0x2: {  	[smem:$0x3F8E] =	sst lr;
	_ =	strace $0xD0000000  }
0x3: {  	_ = 	snop  }
0x4: {  	_ = 	snop  }
0x5: {  	_ = 	snop  }
0x6: {  	_ = 	snop  }
0x7: {  	_ = 	snop  }
__scs_overlays_trampoline_lowered:
0x8: {  	[smem:$0x3F9D] =	sst s0  }
0x9: {  	[smem:$0x3F9E] =	sst s1  }
0xa: {  	[smem:$0x3F9F] =	sst s2  }
0xb: {  	[smem:$0x3FA0] =	sst s3  }
0xc: {  	[smem:$0x3FA1] =	sst s4  }
0xd: {  	[smem:$0x3FA2] =	sst s5  }
0xe: {  	[smem:$0x3FA3] =	sst s6  }
0xf: {  	[smem:$0x3FA4] =	sst s7  }
0x10: {  	[smem:$0x3FA5] =	sst s8  }
0x11: {  	[smem:$0x3FA6] =	sst s9;
	s0 =	simm.s32 @!p0 $0x0  }
0x12: {  	s1 =	sld [smem:$0x3F8C];
	s0 =	simm.s32 @p0 $0x1  }
0x13: {  	[smem:$0x3FA7] =	sst s0;
	s0 =	simm.s32 @!p1 $0x0  }
0x14: {  	s2 =	sld [smem:$0x3F8B];
	s0 =	simm.s32 @p1 $0x1  }
0x15: {  	[smem:$0x3FA8] =	sst s0;
	s0 =	simm.s32 @!p2 $0x0  }
0x16: {  	s3 =	sld [smem:$0x3FDB];
	s0 =	simm.s32 @p2 $0x1  }
0x17: {  	s4 =	simm.s32 $0x1BF5;
	[smem:$0x3FAA] =	sst s0  }
0x18: {  	s0 =	sld [smem:$0x3F8D];
	_ =	swait.ge [sflag:s4], $0x0  }
0x19: {  	s7 =	sld [smem:$0x3F8E]  }
0x1a: {  	s8 =	sadd.s32 $0xFFFFE003, lr  }
0x1b: {  	s9 =	sadd.s32 $0xFFFFFEF7, lr;
	s5 =	simm.s32 $0xFFFFFFFF;
	p2 =	slt.u32 s8, $0xFFFFF086  }
0x1c: {  	p1 =	slt.u32 s9, $0xF7A;
	s5 =	simm.s32 @!p2 $0x0  }
0x1d: {  	s5 =	simm.s32 @p1 $0x1;
	p0 =	seq.s32 s7, s2  }
0x1e: {  	s7 =	smul.u32 @!p0 $0xF7A, s2;
	p2 =	seq.s32 @!p0 s5, $0x0  }
0x1f: {  	s9 =	smul.u32 $0xF7A, s1;
	s8 =	simm.s32 @!p0 $0x1BF5;
	p2 =	por !p2, p0  }
0x20: {  	[sflag:s8] =	ssyncset.s32 @!p0 $0xFFFFF086;
	s6 =	sadd.s32 @!p0 s3, s7;
	s7 =	simm.s32 @!p0 $0x108  }
0x21: {  	s3 =	sadd.s32 s3, s9;
	s6 =	sadd.s32 @!p0 $0x88, s6;
	s7 =	simm.s32 @p2 $0x1082  }
0x22: {  	[simem:s7], [sflag:s8] =	dma.local @!p0 [hbm:s6], $0xF7A  }
0x23: {  	s9 =	sor.u32 $0xD0000000, s2;
	s6 =	simm.s32 $0x108;
	_ =	swait.ge @!p0 [sflag:s8], $0x0  }
0x24: {  	s3 =	sadd.s32 $0x88, s3;
	s6 =	simm.s32 @!p1 $0x1082;
	[sflag:s4] =	ssyncset.s32 $0xFFFFF086  }
0x25: {  	[simem:s6], [sflag:s4] =	dma.local [hbm:s3], $0xF7A  }
0x26: {  	[smem:$0x3F8E] =	sst s1;
	(tag) =	ssettag s2;
	_ =	strace s9  }
0x27: {  	s1 =	sld [smem:$0x3F9E]  }
0x28: {  	s2 =	sld [smem:$0x3F9F]  }
0x29: {  	s4 =	sld [smem:$0x3FA1]  }
0x2a: {  	p0 =	seq.s32 s5, $0x0;
	s5 =	sld [smem:$0x3FA2]  }
0x2b: {  	s6 =	sld [smem:$0x3FA3]  }
0x2c: {  	s7 =	sld [smem:$0x3FA4]  }
0x2d: {  	s3 =	simm.s32 $0x108;
	s8 =	sld [smem:$0x3FA5]  }
0x2e: {  	s3 =	simm.s32 @!p0 $0x1082;
	s9 =	sld [smem:$0x3FA6]  }
0x2f: {  	lr =	sadd.s32 s0, s3;
	s0 =	sld [smem:$0x3F9D]  }
0x30: {  	s3 =	sld [smem:$0x3FA0]  }
0x31: {  	[smem:$0x3FA9] =	sst s10  }
0x32: {  	s10 =	sld [smem:$0x3FA7];
	_ =	sdelay $0x3  }
0x33: {  	p0 =	seq.s32 s10, $0x1;
	s10 =	sld [smem:$0x3FA9];
	_ =	sdelay $0x3  }
0x34: {  	[smem:$0x3FA9] =	sst s10  }
0x35: {  	s10 =	sld [smem:$0x3FA8];
	_ =	sdelay $0x3  }
0x36: {  	p1 =	seq.s32 s10, $0x1;
	s10 =	sld [smem:$0x3FA9];
	_ =	sdelay $0x3  }
0x37: {  	[smem:$0x3FA9] =	sst s10  }
0x38: {  	s10 =	sld [smem:$0x3FAA]  }
0x39: {  	_ = 	snop;
	(pc) =	sbr.ind lr, $3  }
0x3a: {  	_ = 	snop  }
0x3b: {  	_ = 	snop  }
0x3c: {  	p2 =	seq.s32 s10, $0x1;
	s10 =	sld [smem:$0x3FA9]  }
0x3d: {  	_ =	shalt  }
0x3e: {  	_ =	shalt  }
0x3f: {  	_ =	shalt  }
0x40: {  	_ =	shalt  }
0x41: {  	_ =	shalt  }
0x42: {  	_ =	shalt  }
0x43: {  	_ =	shalt  }
0x44: {  	_ =	shalt  }
0x45: {  	_ =	shalt  }
0x46: {  	_ =	shalt  }
0x47: {  	_ =	shalt  }
0x48: {  	_ =	shalt  }
0x49: {  	_ =	shalt  }
0x4a: {  	_ =	shalt  }
0x4b: {  	_ =	shalt  }
0x4c: {  	_ =	shalt  }
0x4d: {  	_ =	shalt  }
0x4e: {  	_ =	shalt  }
0x4f: {  	_ =	shalt  }
0x50: {  	_ =	shalt  }
0x51: {  	_ =	shalt  }
0x52: {  	_ =	shalt  }
0x53: {  	_ =	shalt  }
0x54: {  	_ =	shalt  }
0x55: {  	_ =	shalt  }
0x56: {  	_ =	shalt  }
0x57: {  	_ =	shalt  }
0x58: {  	_ =	shalt  }
0x59: {  	_ =	shalt  }
0x5a: {  	_ =	shalt  }
0x5b: {  	_ =	shalt  }
0x5c: {  	_ =	shalt  }
0x5d: {  	_ =	shalt  }
0x5e: {  	_ =	shalt  }
0x5f: {  	_ =	shalt  }
0x60: {  	_ =	shalt  }
0x61: {  	_ =	shalt  }
0x62: {  	_ =	shalt  }
0x63: {  	_ =	shalt  }
0x64: {  	_ =	shalt  }
0x65: {  	_ =	shalt  }
0x66: {  	_ =	shalt  }
0x67: {  	_ =	shalt  }
0x68: {  	_ =	shalt  }
0x69: {  	_ =	shalt  }
0x6a: {  	_ =	shalt  }
0x6b: {  	_ =	shalt  }
0x6c: {  	_ =	shalt  }
0x6d: {  	_ =	shalt  }
0x6e: {  	_ =	shalt  }
0x6f: {  	_ =	shalt  }
0x70: {  	_ =	shalt  }
0x71: {  	_ =	shalt  }
0x72: {  	_ =	shalt  }
0x73: {  	_ =	shalt  }
0x74: {  	_ =	shalt  }
0x75: {  	_ =	shalt  }
0x76: {  	_ =	shalt  }
0x77: {  	_ =	shalt  }
0x78: {  	_ =	shalt  }
0x79: {  	_ =	shalt  }
0x7a: {  	_ =	shalt  }
0x7b: {  	_ =	shalt  }
0x7c: {  	_ =	shalt  }
0x7d: {  	_ =	shalt  }
0x7e: {  	_ =	shalt  }
0x7f: {  	_ =	shalt  }
0x80: {  	_ =	shalt  }
0x81: {  	_ =	shalt  }
0x82: {  	_ =	shalt  }
0x83: {  	_ =	shalt  }
0x84: {  	_ =	shalt  }
0x85: {  	_ =	shalt  }
0x86: {  	_ =	shalt  }
0x87: {  	_ =	shalt  }
.Lfunc_end0:
.L_simem_size_0:
called_computation.1_lowered:
.L_overlay_start_0:
0x88: {  	s2 =	sld [smem:$0x3FD9]  }
0x89: {  	s3 =	sld [smem:$0x3FFE];
	_ =	sdelay $0x1  }
0x8a: {  	s1 =	srdreg.scid  }
0x8b: {  	s0 =	sand.u32 $0x1, s1  }
0x8c: {  	s17 =	sshll.u32 s0, $0xA;
	s2 =	sadd.s32 s3, s2  }
0x8d: {  	s2 =	sadd.s32 s2, s17  }
0x8e: {  	[smem:$0x3FB5] =	sst s2  }
0x8f: {  	_ = 	snop  }
0x90: {  	s18 =	sld [smem:$0x3FD0];
	(tm) =	ssettm $0x1  }
0x91: {  	s19 =	sld [smem:$0x3FFB];
	_ =	sdelay $0x3  }
0x92: {  	_ =	strace s19  }
0x93: {  	s2 =	sld [smem:$0x3FFC];
	_ =	sdelay $0x3  }
0x94: {  	_ =	strace s2  }
0x95: {  	s2 =	sld [smem:$0x3FFD];
	_ =	sdelay $0x3  }
0x96: {  	_ =	strace s2  }
0x97: {  	_ =	strace $0x8FFFFFFF  }
0x98: {  	s20 =	sld [smem:$0x3FDB];
	_ =	sdelay $0x1  }
0x99: {  	s4 =	simm.s32 $_scs_section_size  }
0x9a: {  	s5 =	simm.s32 $_size__tile_overlayer_lowered;
	s6 =	simm.s32 $_tile_overlayer_lowered  }
0x9b: {  	s7 =	simm.s32 $0x1BFF;
	s21 =	sshll.u32 s6, $0x1;
	s4 =	sadd.s32 s4, s20  }
0x9c: {  	s22 =	simm.s32 $0x0;
	s5 =	sshll.u32 s5, $0x1;
	s6 =	sadd.s32 s21, s4  }
0x9d: {  	[timem:s22], [sflag:s7] =	dma.local [hbm:s6], s5  }
0x9e: {  	_ =	swait.ge [sflag:s7], s5  }
0x9f: {  	s5 =	ssub.s32 $0x0, s5;
	[sflag:s7] =	ssyncset.done $0x0  }
0xa0: {  	[sflag:s7] =	ssyncadd.s32 s5;
	_ =	sdelay $0x1  }
0xa1: {  	s23 =	simm.s32 $0x1B8B  }
0xa2: {  	_ =	swait.ge [sflag:s23], $0x1  }
0xa3: {  	[sflag:s23] =	ssyncset.done $0x0  }
0xa4: {  	[sflag:s23] =	ssyncadd.s32 $0xFFFFFFFF  }
0xa5: {  	s5 =	sld [smem:$0x0]  }
0xa6: {  	s6 =	sand.u32 $0xFFFFFFFE, s1  }
0xa7: {  	p0 =	sne.s32 s1, s6  }
0xa8: {  	s6 =	sshll.u32 @p0 s6, $0xE  }
0xa9: {  	s6 =	sadd.s32 @p0 $0x11B8D, s6;
	s7 =	sshll.u32 @p0 s5, $0x11  }
0xaa: {  	s6 =	sor.u32 @p0 s7, s6  }
0xab: {  	[sflag:s6] =	ssyncadd.remote.s32 @p0 $0x1;
	_ =	sdelay $0x1  }
0xac: {  	s6 =	simm.s32 @p0 $0x1B8D  }
0xad: {  	_ =	swait.eq @p0 [sflag:s6], $0x1  }
0xae: {  	[sflag:s6] =	ssyncadd.s32 @p0 $0xFFFFFFFF  }
0xaf: {  	s7 =	sshll.u32 @!p0 s1, $0xE  }
0xb0: {  	s7 =	sor.u32 @!p0 $0x4000, s7;
	s6 =	simm.s32 @!p0 $0x1B8D  }
0xb1: {  	s5 =	sshll.u32 @!p0 s5, $0x11;
	s7 =	sadd.s32 @!p0 $0x11B8D, s7;
	_ =	swait.eq @!p0 [sflag:s6], $0x1  }
0xb2: {  	s5 =	sor.u32 @!p0 s5, s7;
	[sflag:s6] =	ssyncadd.s32 @!p0 $0xFFFFFFFF  }
0xb3: {  	s25 =	simm.s32 $0x1B8E;
	s24 =	sld [smem:$0x3FFE];
	[sflag:s5] =	ssyncadd.remote.s32 @!p0 $0x1  }
0xb4: {  	s26 =	simm.s32 $execute0_lowered;
	[smem:$0x3FD2] =	sst s25  }
0xb5: {  	s6 =	sshll.u32 s26, $0x1;
	_ =	strace $0x80000049;
	[dreg:$0x1] =	wrdreg $0xFFFFFFFF  }
0xb6: {  	s28 =	simm.s32 $_size_execute0_lowered;
	s4 =	sadd.s32 s4, s6;
	[dreg:$0x0] =	wrdreg $0x0  }
0xb7: {  	s6 =	sshll.u32 s28, $0x1;
	[dreg:$0x2] =	wrdreg s4  }
0xb8: {  	[dreg:$0x3] =	wrdreg s6  }
0xb9: {  	[dreg:$0x4] =	wrdreg $0xC0  }
0xba: {  	_ =	task [dreg:s22], $0x5FFFF  }
0xbb: {  	[dreg:$0x1] =	wrdreg $0xFFFFFFFF  }
0xbc: {  	[dreg:$0x0] =	wrdreg $0x60  }
0xbd: {  	[dreg:$0x2] =	wrdreg s24  }
0xbe: {  	[dreg:$0x3] =	wrdreg s18  }
0xbf: {  	[dreg:$0x4] =	wrdreg $0xA  }
0xc0: {  	_ =	task.clear_ibuf [dreg:s22], $0x5FFFF;
	_ =	strace $0x90000049  }
0xc1: {  	s29 =	simm.s32 $0xA;
	_ =	strace $0x8000004B  }
0xc2: {  	_ =	swait.ge [sflag:s29], $0x1  }
0xc3: {  	[sflag:s29] =	ssyncadd.s32 $0xFFFFFFFF  }
0xc4: {  	_ =	strace $0x9000004B  }
0xc5: {  	_ =	sfence  }
0xc6: {  	s30 =	sld [smem:$0x0];
	_ =	sdelay $0x2  }
0xc7: {  	s31 =	sshll.u32 s1, $0xD;
	s1 =	sshrl.u32 s1, $0x2  }
0xc8: {  	s4 =	sand.u32 $0x4000, s31;
	s1 =	sadd.s32 s1, s30  }
0xc9: {  	s0 =	sor.u32 s4, s0;
	s1 =	sshll.u32 s1, $0x11  }
0xca: {  	s0 =	sor.u32 s1, s0  }
0xcb: {  	s0 =	sadd.s32 $0x8F2B, s0  }
0xcc: {  	[sflag:s0] =	ssyncadd.remote.s32 $0x1  }
0xcd: {  	_ =	sfence.sel $0xFFFF  }
0xce: {  	[dreg:$0x0] =	wrdreg $0xFFFFFFFF;
	(pc) =	sbr.abs _section_cstart, $3  }
0xcf: {  	[dreg:$0x1] =	wrdreg $0xFFFFFFFF  }
0xd0: {  	_ =	task.clear_ibuf [dreg:s22], $0x2FFFF;
	_ =	strace $0x9FFFFFFF  }
0xd1: {  	(tm) =	ssettm $0x7FFFFFFF  }
tec
execute0_lowered:
.L_overlay_start_1:
0x0: {  	(tag) =	ssettag $0x1  }
0x1: {  	s1 =	srdreg.scid  }
0x2: {  	s0 =	stileid.u32;
	s1 =	sand.u32 $0x1, s1  }
0x3: {  	s4 =	rddreg [dreg:$0x0];
	s2 =	sshll.u32 s0, $0xC;
	s3 =	sshll.u32 s1, $0xB  }
0x4: {  	s5 =	rddreg [dreg:$0x1];
	s3 =	sor.u32 s3, s2;
	s2 =	simm.s32 $0x0  }
0x5: {  	s15 =	simm.s32 $0x1000;
	[smem:$0x7FF] =	sst s2  }
0x6: {  	s16 =	simm.s32 $0x100;
	_ =	strace $0x8000004A;
	[dreg:$0x5] =	wrdreg s15  }
0x7: {  	s17 =	simm.s32 $0x1800;
	[dreg:$0x6] =	wrdreg s16  }
0x8: {  	s18 =	simm.s32 $0x180;
	[dreg:$0x7] =	wrdreg s17  }
0x9: {  	s19 =	simm.s32 $0x2000;
	s21 =	simm.s32 $0x200;
	[dreg:$0x8] =	wrdreg s18  }
0xa: {  	s6 =	sshrl.u32 s3, $0x3;
	s3 =	sshll.u32 s3, $0x1;
	[dreg:$0x9] =	wrdreg s19  }
0xb: {  	s6 =	sadd.s32 s6, s4;
	s3 =	sadd.s32 s5, s3;
	[dreg:$0xa] =	wrdreg s21  }
0xc: {  	s6 =	sadd.s32 $0x29200, s6;
	[dreg:$0x4] =	wrdreg s3  }
0xd: {  	[dreg:$0x3] =	wrdreg s6  }
0xe: {  	s3 =	simm.s32 $0x2;
	s20 =	rddreg [dreg:$0x3]  }
0xf: {  	[tilespmem:s2], [sflag:$0x2] =	stream.linear.gather [hbm4b:s20+s2], $0x800, $0x38;
	[tilespmem:$0x8800] =	vst v63  }
0x10: {  	_ =	swait.ge [sflag:s3], $0x800  }
0x11: {  	s7 =	simm.s32 $0x1;
	s4 =	sadd.s32 $0x5200, s4;
	[sflag:s3] =	ssyncset.done $0x0  }
0x12: {  	s5 =	simm.s32 $0x80;
	s6 =	simm.s32 $0x800;
	[sflag:s3] =	ssyncadd.s32 $0xFFFFF800  }
0x13: {  	[tilespmem:s6], [sflag:$0x1] =	stream.indirect.gather [hbm4b:s4+s5], $0x10, s2, s5, $0xb8;
	[tilespmem:$0x8800] =	vst v63  }
0x14: {  	_ =	swait.ge [sflag:s7], $0x800  }
0x15: {  	[sflag:s7] =	ssyncset.done $0x0  }
0x16: {  	s8 =	rddreg [dreg:$0x5];
	[sflag:s7] =	ssyncadd.s32 $0xFFFFF800  }
0x17: {  	[tilespmem:s8], [sflag:$0x1] =	stream.indirect.gather [hbm4b:s4+s5], $0x10, s5, s5, $0xb8;
	[tilespmem:$0x8800] =	vst v63  }
0x18: {  	_ =	swait.ge [sflag:s7], $0x800  }
0x19: {  	s22 =	rddreg [dreg:$0x7];
	[sflag:s7] =	ssyncset.done $0x0  }
0x1a: {  	s9 =	rddreg [dreg:$0x6];
	[sflag:s7] =	ssyncadd.s32 $0xFFFFF800  }
0x1b: {  	[tilespmem:s22], [sflag:$0x1] =	stream.indirect.gather [hbm4b:s4+s5], $0x10, s9, s5, $0xb8;
	[tilespmem:$0x8800] =	vst v63  }
0x1c: {  	_ =	swait.ge [sflag:s7], $0x800  }
0x1d: {  	s23 =	rddreg [dreg:$0x8];
	[sflag:s7] =	ssyncset.done $0x0  }
0x1e: {  	s24 =	rddreg [dreg:$0x9];
	[sflag:s7] =	ssyncadd.s32 $0xFFFFF800  }
0x1f: {  	[tilespmem:s24], [sflag:$0x1] =	stream.indirect.gather [hbm4b:s4+s5], $0x10, s23, s5, $0xb8;
	[tilespmem:$0x8800] =	vst v63  }
0x20: {  	_ =	swait.ge [sflag:s7], $0x800  }
0x21: {  	[sflag:s7] =	ssyncset.done $0x0  }
0x22: {  	s26 =	simm.s32 $0x2800;
	s25 =	rddreg [dreg:$0xa];
	[sflag:s7] =	ssyncadd.s32 $0xFFFFF800  }
0x23: {  	[tilespmem:s26], [sflag:$0x1] =	stream.indirect.gather [hbm4b:s4+s5], $0x10, s25, s5, $0xb8;
	[tilespmem:$0x8800] =	vst v63  }
0x24: {  	_ =	swait.ge [sflag:s7], $0x800  }
0x25: {  	[sflag:s7] =	ssyncset.done $0x0  }
0x26: {  	s10 =	simm.s32 $0x3000;
	s9 =	simm.s32 $0x280;
	[sflag:s7] =	ssyncadd.s32 $0xFFFFF800  }
0x27: {  	[tilespmem:s10], [sflag:$0x1] =	stream.indirect.gather [hbm4b:s4+s5], $0x10, s9, s5, $0xb8;
	[tilespmem:$0x8800] =	vst v63  }
0x28: {  	_ =	swait.ge [sflag:s7], $0x800  }
0x29: {  	[sflag:s7] =	ssyncset.done $0x0  }
0x2a: {  	s11 =	simm.s32 $0x300;
	s12 =	simm.s32 $0x3800;
	[sflag:s7] =	ssyncadd.s32 $0xFFFFF800  }
0x2b: {  	[tilespmem:s12], [sflag:$0x1] =	stream.indirect.gather [hbm4b:s4+s5], $0x10, s11, s5, $0xb8;
	[tilespmem:$0x8800] =	vst v63  }
0x2c: {  	_ =	swait.ge [sflag:s7], $0x800  }
0x2d: {  	[sflag:s7] =	ssyncset.done $0x0  }
0x2e: {  	s13 =	simm.s32 $0x380;
	s14 =	simm.s32 $0x4000;
	[sflag:s7] =	ssyncadd.s32 $0xFFFFF800  }
0x2f: {  	[tilespmem:s14], [sflag:$0x1] =	stream.indirect.gather [hbm4b:s4+s5], $0x10, s13, s5, $0xb8;
	[tilespmem:$0x8800] =	vst v63  }
0x30: {  	_ =	swait.ge [sflag:s7], $0x800  }
0x31: {  	[sflag:s7] =	ssyncset.done $0x0  }
0x32: {  	s15 =	simm.s32 $0x400;
	s16 =	simm.s32 $0x4800;
	[sflag:s7] =	ssyncadd.s32 $0xFFFFF800  }
0x33: {  	[tilespmem:s16], [sflag:$0x1] =	stream.indirect.gather [hbm4b:s4+s5], $0x10, s15, s5, $0xb8;
	[tilespmem:$0x8800] =	vst v63  }
0x34: {  	_ =	swait.ge [sflag:s7], $0x800  }
0x35: {  	[sflag:s7] =	ssyncset.done $0x0  }
0x36: {  	s17 =	simm.s32 $0x480;
	s18 =	simm.s32 $0x5000;
	[sflag:s7] =	ssyncadd.s32 $0xFFFFF800  }
0x37: {  	[tilespmem:s18], [sflag:$0x1] =	stream.indirect.gather [hbm4b:s4+s5], $0x10, s17, s5, $0xb8;
	[tilespmem:$0x8800] =	vst v63  }
0x38: {  	_ =	swait.ge [sflag:s7], $0x800  }
0x39: {  	[sflag:s7] =	ssyncset.done $0x0  }
0x3a: {  	s19 =	simm.s32 $0x500;
	s20 =	simm.s32 $0x5800;
	[sflag:s7] =	ssyncadd.s32 $0xFFFFF800  }
0x3b: {  	[tilespmem:s20], [sflag:$0x1] =	stream.indirect.gather [hbm4b:s4+s5], $0x10, s19, s5, $0xb8;
	[tilespmem:$0x8800] =	vst v63  }
0x3c: {  	_ =	swait.ge [sflag:s7], $0x800  }
0x3d: {  	[sflag:s7] =	ssyncset.done $0x0  }
0x3e: {  	s21 =	simm.s32 $0x580;
	s22 =	simm.s32 $0x6000;
	[sflag:s7] =	ssyncadd.s32 $0xFFFFF800  }
0x3f: {  	[tilespmem:s22], [sflag:$0x1] =	stream.indirect.gather [hbm4b:s4+s5], $0x10, s21, s5, $0xb8;
	[tilespmem:$0x8800] =	vst v63  }
0x40: {  	_ =	swait.ge [sflag:s7], $0x800  }
0x41: {  	[sflag:s7] =	ssyncset.done $0x0  }
0x42: {  	s23 =	simm.s32 $0x600;
	s24 =	simm.s32 $0x6800;
	[sflag:s7] =	ssyncadd.s32 $0xFFFFF800  }
0x43: {  	[tilespmem:s24], [sflag:$0x1] =	stream.indirect.gather [hbm4b:s4+s5], $0x10, s23, s5, $0xb8;
	[tilespmem:$0x8800] =	vst v63  }
0x44: {  	_ =	swait.ge [sflag:s7], $0x800  }
0x45: {  	[sflag:s7] =	ssyncset.done $0x0  }
0x46: {  	s25 =	simm.s32 $0x680;
	s26 =	simm.s32 $0x7000;
	[sflag:s7] =	ssyncadd.s32 $0xFFFFF800  }
0x47: {  	[tilespmem:s26], [sflag:$0x1] =	stream.indirect.gather [hbm4b:s4+s5], $0x10, s25, s5, $0xb8;
	[tilespmem:$0x8800] =	vst v63  }
0x48: {  	_ =	swait.ge [sflag:s7], $0x800  }
0x49: {  	s28 =	simm.s32 $0x700;
	s1 =	ssub.s32 $0x2, s1;
	[sflag:s7] =	ssyncset.done $0x0  }
0x4a: {  	s29 =	simm.s32 $0x7800;
	s0 =	sshrl.u32 s1, $0x1;
	[sflag:s7] =	ssyncadd.s32 $0xFFFFF800  }
0x4b: {  	[tilespmem:s29], [sflag:$0x1] =	stream.indirect.gather [hbm4b:s4+s5], $0x10, s28, s5, $0xb8;
	[tilespmem:$0x8800] =	vst v63  }
0x4c: {  	s0 =	ssub.s32 s1, s0;
	_ =	swait.ge [sflag:s7], $0x800  }
0x4d: {  	s30 =	simm.s32 $0x780;
	s0 =	smax.u32 s0, $0x1;
	[sflag:s7] =	ssyncset.done $0x0  }
0x4e: {  	s31 =	simm.s32 $0x8000;
	p0 =	sne.s32 s0, $0x1;
	[sflag:s7] =	ssyncadd.s32 $0xFFFFF800  }
0x4f: {  	[tilespmem:s31], [sflag:$0x1] =	stream.indirect.gather [hbm4b:s4+s5], $0x10, s30, s5, $0xb8;
	[tilespmem:$0x8800] =	vst v63  }
.Ltmp0:
0x50: {  	_ =	swait.ge [sflag:s7], $0x800;
	(pc) =	sbr.rel @!p0 .LBB2_2-.Ltmp0, $4  }
0x51: {  	[sflag:s7] =	ssyncset.done $0x0  }
0x52: {  	s8 =	rddreg [dreg:$0x4];
	[sflag:s7] =	ssyncadd.s32 $0xFFFFF800  }
0x53: {  	[hbm4b:s8+s2] =	stream.linear.scatter [tilespmem:s6], [sflag:$0x2], $0x8000, $0x38;
	[tilespmem:$0x8800] =	vst v63  }
0x54: {  	s1 =	sadd.s32 $0xFFFFFFFF, s0;
	_ =	swait.ge [sflag:s3], $0x8000  }
.LBB2_1:
0x55: {  	[sflag:s3] =	ssyncset.done $0x0  }
0x56: {  	s0 =	rddreg [dreg:$0x3];
	[sflag:s3] =	ssyncadd.s32 $0xFFFF8000  }
0x57: {  	[tilespmem:s2], [sflag:$0x2] =	stream.linear.gather [hbm4b:s0+s2], $0x800, $0x38;
	[tilespmem:$0x8800] =	vst v63  }
0x58: {  	_ =	swait.ge [sflag:s3], $0x800  }
0x59: {  	[sflag:s3] =	ssyncset.done $0x0  }
0x5a: {  	[sflag:s3] =	ssyncadd.s32 $0xFFFFF800  }
0x5b: {  	[tilespmem:s6], [sflag:$0x1] =	stream.indirect.gather [hbm4b:s4+s5], $0x10, s2, s5, $0xb8;
	[tilespmem:$0x8800] =	vst v63  }
0x5c: {  	_ =	swait.ge [sflag:s7], $0x800  }
0x5d: {  	[sflag:s7] =	ssyncset.done $0x0  }
0x5e: {  	s8 =	rddreg [dreg:$0x5];
	[sflag:s7] =	ssyncadd.s32 $0xFFFFF800  }
0x5f: {  	[tilespmem:s8], [sflag:$0x1] =	stream.indirect.gather [hbm4b:s4+s5], $0x10, s5, s5, $0xb8;
	[tilespmem:$0x8800] =	vst v63  }
0x60: {  	_ =	swait.ge [sflag:s7], $0x800  }
0x61: {  	s0 =	rddreg [dreg:$0x7];
	[sflag:s7] =	ssyncset.done $0x0  }
0x62: {  	s8 =	rddreg [dreg:$0x6];
	[sflag:s7] =	ssyncadd.s32 $0xFFFFF800  }
0x63: {  	[tilespmem:s0], [sflag:$0x1] =	stream.indirect.gather [hbm4b:s4+s5], $0x10, s8, s5, $0xb8;
	[tilespmem:$0x8800] =	vst v63  }
0x64: {  	_ =	swait.ge [sflag:s7], $0x800  }
0x65: {  	[sflag:s7] =	ssyncset.done $0x0;
	s0 =	rddreg [dreg:$0x8]  }
0x66: {  	s8 =	rddreg [dreg:$0x9];
	[sflag:s7] =	ssyncadd.s32 $0xFFFFF800  }
0x67: {  	[tilespmem:s8], [sflag:$0x1] =	stream.indirect.gather [hbm4b:s4+s5], $0x10, s0, s5, $0xb8;
	[tilespmem:$0x8800] =	vst v63  }
0x68: {  	_ =	swait.ge [sflag:s7], $0x800  }
0x69: {  	[sflag:s7] =	ssyncset.done $0x0  }
0x6a: {  	s8 =	simm.s32 $0x2800;
	s0 =	rddreg [dreg:$0xa];
	[sflag:s7] =	ssyncadd.s32 $0xFFFFF800  }
0x6b: {  	[tilespmem:s8], [sflag:$0x1] =	stream.indirect.gather [hbm4b:s4+s5], $0x10, s0, s5, $0xb8;
	[tilespmem:$0x8800] =	vst v63  }
0x6c: {  	_ =	swait.ge [sflag:s7], $0x800  }
0x6d: {  	[sflag:s7] =	ssyncset.done $0x0  }
0x6e: {  	[sflag:s7] =	ssyncadd.s32 $0xFFFFF800  }
0x6f: {  	[tilespmem:s10], [sflag:$0x1] =	stream.indirect.gather [hbm4b:s4+s5], $0x10, s9, s5, $0xb8;
	[tilespmem:$0x8800] =	vst v63  }
0x70: {  	_ =	swait.ge [sflag:s7], $0x800  }
0x71: {  	[sflag:s7] =	ssyncset.done $0x0  }
0x72: {  	[sflag:s7] =	ssyncadd.s32 $0xFFFFF800  }
0x73: {  	[tilespmem:s12], [sflag:$0x1] =	stream.indirect.gather [hbm4b:s4+s5], $0x10, s11, s5, $0xb8;
	[tilespmem:$0x8800] =	vst v63  }
0x74: {  	_ =	swait.ge [sflag:s7], $0x800  }
0x75: {  	[sflag:s7] =	ssyncset.done $0x0  }
0x76: {  	[sflag:s7] =	ssyncadd.s32 $0xFFFFF800  }
0x77: {  	[tilespmem:s14], [sflag:$0x1] =	stream.indirect.gather [hbm4b:s4+s5], $0x10, s13, s5, $0xb8;
	[tilespmem:$0x8800] =	vst v63  }
0x78: {  	_ =	swait.ge [sflag:s7], $0x800  }
0x79: {  	[sflag:s7] =	ssyncset.done $0x0  }
0x7a: {  	[sflag:s7] =	ssyncadd.s32 $0xFFFFF800  }
0x7b: {  	[tilespmem:s16], [sflag:$0x1] =	stream.indirect.gather [hbm4b:s4+s5], $0x10, s15, s5, $0xb8;
	[tilespmem:$0x8800] =	vst v63  }
0x7c: {  	_ =	swait.ge [sflag:s7], $0x800  }
0x7d: {  	[sflag:s7] =	ssyncset.done $0x0  }
0x7e: {  	[sflag:s7] =	ssyncadd.s32 $0xFFFFF800  }
0x7f: {  	[tilespmem:s18], [sflag:$0x1] =	stream.indirect.gather [hbm4b:s4+s5], $0x10, s17, s5, $0xb8;
	[tilespmem:$0x8800] =	vst v63  }
0x80: {  	_ =	swait.ge [sflag:s7], $0x800  }
0x81: {  	[sflag:s7] =	ssyncset.done $0x0  }
0x82: {  	[sflag:s7] =	ssyncadd.s32 $0xFFFFF800  }
0x83: {  	[tilespmem:s20], [sflag:$0x1] =	stream.indirect.gather [hbm4b:s4+s5], $0x10, s19, s5, $0xb8;
	[tilespmem:$0x8800] =	vst v63  }
0x84: {  	_ =	swait.ge [sflag:s7], $0x800  }
0x85: {  	[sflag:s7] =	ssyncset.done $0x0  }
0x86: {  	[sflag:s7] =	ssyncadd.s32 $0xFFFFF800  }
0x87: {  	[tilespmem:s22], [sflag:$0x1] =	stream.indirect.gather [hbm4b:s4+s5], $0x10, s21, s5, $0xb8;
	[tilespmem:$0x8800] =	vst v63  }
0x88: {  	_ =	swait.ge [sflag:s7], $0x800  }
0x89: {  	[sflag:s7] =	ssyncset.done $0x0  }
0x8a: {  	[sflag:s7] =	ssyncadd.s32 $0xFFFFF800  }
0x8b: {  	[tilespmem:s24], [sflag:$0x1] =	stream.indirect.gather [hbm4b:s4+s5], $0x10, s23, s5, $0xb8;
	[tilespmem:$0x8800] =	vst v63  }
0x8c: {  	_ =	swait.ge [sflag:s7], $0x800  }
0x8d: {  	[sflag:s7] =	ssyncset.done $0x0  }
0x8e: {  	[sflag:s7] =	ssyncadd.s32 $0xFFFFF800  }
0x8f: {  	[tilespmem:s26], [sflag:$0x1] =	stream.indirect.gather [hbm4b:s4+s5], $0x10, s25, s5, $0xb8;
	[tilespmem:$0x8800] =	vst v63  }
0x90: {  	_ =	swait.ge [sflag:s7], $0x800  }
0x91: {  	[sflag:s7] =	ssyncset.done $0x0  }
0x92: {  	[sflag:s7] =	ssyncadd.s32 $0xFFFFF800  }
0x93: {  	[tilespmem:s29], [sflag:$0x1] =	stream.indirect.gather [hbm4b:s4+s5], $0x10, s28, s5, $0xb8;
	[tilespmem:$0x8800] =	vst v63  }
0x94: {  	_ =	swait.ge [sflag:s7], $0x800  }
0x95: {  	[sflag:s7] =	ssyncset.done $0x0  }
0x96: {  	p0 =	sne.s32 s1, $0x1;
	[sflag:s7] =	ssyncadd.s32 $0xFFFFF800  }
0x97: {  	[tilespmem:s31], [sflag:$0x1] =	stream.indirect.gather [hbm4b:s4+s5], $0x10, s30, s5, $0xb8;
	[tilespmem:$0x8800] =	vst v63  }
.Ltmp1:
0x98: {  	_ =	swait.ge [sflag:s7], $0x800;
	(pc) =	sbr.rel @p0 .LBB2_1-.Ltmp1, $4  }
0x99: {  	[sflag:s7] =	ssyncset.done $0x0  }
0x9a: {  	s8 =	rddreg [dreg:$0x4];
	[sflag:s7] =	ssyncadd.s32 $0xFFFFF800  }
0x9b: {  	[hbm4b:s8+s2] =	stream.linear.scatter [tilespmem:s6], [sflag:$0x2], $0x8000, $0x38;
	[tilespmem:$0x8800] =	vst v63  }
0x9c: {  	s1 =	sadd.s32 $0xFFFFFFFF, s1;
	_ =	swait.ge [sflag:s3], $0x8000  }
.LBB2_2:
0x9d: {  	[sflag:s3] =	ssyncset.done $0x0  }
0x9e: {  	[sflag:s3] =	ssyncadd.s32 $0xFFFF8000  }
0x9f: {  	_ =	sfence.sel $0x180000  }
0xa0: {  	[bflag:$0x0] =	sbarrier.arrive $0xFFFF  }
0xa1: {  	_ =	strace $0x9000004A  }
0xa2: {  	s0 =	stileid.u32;
	[bflag:$0x2] =	sbarrier.arrive $0xFFFF  }
0xa3: {  	p0 =	sne.s32 s0, $0x0;
	s0 =	rddreg [dreg:$0x2]  }
0xa4: {  	s0 =	sadd.s32 @!p0 $0x100000, s0  }
0xa5: {  	[sflag:s0] =	ssyncadd.tile.s32 @!p0 $0x1;
	_ =	shalt  }
.Lfunc_end2:
_tile_overlayer_lowered:
.L_overlay_start_2:
0xa6: {  	(tag) =	ssettag $0x2  }
0xa7: {  	s0 =	rddreg [dreg:$0x0];
	s2 =	stileid.u32  }
0xa8: {  	s1 =	rddreg [dreg:$0x1];
	p0 =	sne.s32 s2, $0x0  }
0xa9: {  	s3 =	rddreg [dreg:$0x2];
	[bflag:$0x3] =	sbarrier.arrive $0xFFFF;
	s2 =	simm.s32 @!p0 $0x1C02  }
0xaa: {  	[timem:s3], [sflag:s2] =	dma.local @!p0 [hbm:s0], s1  }
0xab: {  	s0 =	simm.s32 @!p0 $0x2  }
0xac: {  	_ =	swait.ge @!p0 [sflag:s0], s1  }
0xad: {  	s1 =	ssub.s32 @!p0 $0x0, s1;
	[sflag:s0] =	ssyncset.done @!p0 $0x0  }
0xae: {  	[sflag:s0] =	ssyncadd.s32 @!p0 s1  }
0xaf: {  	[bflag:$0x3] =	sbarrier.arrive $0xFFFF  }
0xb0: {  	_ =	shalt  }

// kernel: kernel.8.cloned.1.call-start
scs
__scs_entry_jumppad:
0x0: {  	(pc) =	sbr.rel $0x88, $3  }
0x1: {  	(tag) =	ssettag $0x0;
	lr =	simm.s32 $0x1  }
0x2: {  	[smem:$0x3F8E] =	sst lr;
	_ =	strace $0xD0000000  }
0x3: {  	_ = 	snop  }
0x4: {  	_ = 	snop  }
0x5: {  	_ = 	snop  }
0x6: {  	_ = 	snop  }
0x7: {  	_ = 	snop  }
__scs_overlays_trampoline_lowered:
0x8: {  	[smem:$0x3F9D] =	sst s0  }
0x9: {  	[smem:$0x3F9E] =	sst s1  }
0xa: {  	[smem:$0x3F9F] =	sst s2  }
0xb: {  	[smem:$0x3FA0] =	sst s3  }
0xc: {  	[smem:$0x3FA1] =	sst s4  }
0xd: {  	[smem:$0x3FA2] =	sst s5  }
0xe: {  	[smem:$0x3FA3] =	sst s6  }
0xf: {  	[smem:$0x3FA4] =	sst s7  }
0x10: {  	[smem:$0x3FA5] =	sst s8  }
0x11: {  	[smem:$0x3FA6] =	sst s9;
	s0 =	simm.s32 @!p0 $0x0  }
0x12: {  	s1 =	sld [smem:$0x3F8C];
	s0 =	simm.s32 @p0 $0x1  }
0x13: {  	[smem:$0x3FA7] =	sst s0;
	s0 =	simm.s32 @!p1 $0x0  }
0x14: {  	s2 =	sld [smem:$0x3F8B];
	s0 =	simm.s32 @p1 $0x1  }
0x15: {  	[smem:$0x3FA8] =	sst s0;
	s0 =	simm.s32 @!p2 $0x0  }
0x16: {  	s3 =	sld [smem:$0x3FDB];
	s0 =	simm.s32 @p2 $0x1  }
0x17: {  	s4 =	simm.s32 $0x1BF5;
	[smem:$0x3FAA] =	sst s0  }
0x18: {  	s0 =	sld [smem:$0x3F8D];
	_ =	swait.ge [sflag:s4], $0x0  }
0x19: {  	s7 =	sld [smem:$0x3F8E]  }
0x1a: {  	s8 =	sadd.s32 $0xFFFFE003, lr  }
0x1b: {  	s9 =	sadd.s32 $0xFFFFFEF7, lr;
	s5 =	simm.s32 $0xFFFFFFFF;
	p2 =	slt.u32 s8, $0xFFFFF086  }
0x1c: {  	p1 =	slt.u32 s9, $0xF7A;
	s5 =	simm.s32 @!p2 $0x0  }
0x1d: {  	s5 =	simm.s32 @p1 $0x1;
	p0 =	seq.s32 s7, s2  }
0x1e: {  	s7 =	smul.u32 @!p0 $0xF7A, s2;
	p2 =	seq.s32 @!p0 s5, $0x0  }
0x1f: {  	s9 =	smul.u32 $0xF7A, s1;
	s8 =	simm.s32 @!p0 $0x1BF5;
	p2 =	por !p2, p0  }
0x20: {  	[sflag:s8] =	ssyncset.s32 @!p0 $0xFFFFF086;
	s6 =	sadd.s32 @!p0 s3, s7;
	s7 =	simm.s32 @!p0 $0x108  }
0x21: {  	s3 =	sadd.s32 s3, s9;
	s6 =	sadd.s32 @!p0 $0x88, s6;
	s7 =	simm.s32 @p2 $0x1082  }
0x22: {  	[simem:s7], [sflag:s8] =	dma.local @!p0 [hbm:s6], $0xF7A  }
0x23: {  	s9 =	sor.u32 $0xD0000000, s2;
	s6 =	simm.s32 $0x108;
	_ =	swait.ge @!p0 [sflag:s8], $0x0  }
0x24: {  	s3 =	sadd.s32 $0x88, s3;
	s6 =	simm.s32 @!p1 $0x1082;
	[sflag:s4] =	ssyncset.s32 $0xFFFFF086  }
0x25: {  	[simem:s6], [sflag:s4] =	dma.local [hbm:s3], $0xF7A  }
0x26: {  	[smem:$0x3F8E] =	sst s1;
	(tag) =	ssettag s2;
	_ =	strace s9  }
0x27: {  	s1 =	sld [smem:$0x3F9E]  }
0x28: {  	s2 =	sld [smem:$0x3F9F]  }
0x29: {  	s4 =	sld [smem:$0x3FA1]  }
0x2a: {  	p0 =	seq.s32 s5, $0x0;
	s5 =	sld [smem:$0x3FA2]  }
0x2b: {  	s6 =	sld [smem:$0x3FA3]  }
0x2c: {  	s7 =	sld [smem:$0x3FA4]  }
0x2d: {  	s3 =	simm.s32 $0x108;
	s8 =	sld [smem:$0x3FA5]  }
0x2e: {  	s3 =	simm.s32 @!p0 $0x1082;
	s9 =	sld [smem:$0x3FA6]  }
0x2f: {  	lr =	sadd.s32 s0, s3;
	s0 =	sld [smem:$0x3F9D]  }
0x30: {  	s3 =	sld [smem:$0x3FA0]  }
0x31: {  	[smem:$0x3FA9] =	sst s10  }
0x32: {  	s10 =	sld [smem:$0x3FA7];
	_ =	sdelay $0x3  }
0x33: {  	p0 =	seq.s32 s10, $0x1;
	s10 =	sld [smem:$0x3FA9];
	_ =	sdelay $0x3  }
0x34: {  	[smem:$0x3FA9] =	sst s10  }
0x35: {  	s10 =	sld [smem:$0x3FA8];
	_ =	sdelay $0x3  }
0x36: {  	p1 =	seq.s32 s10, $0x1;
	s10 =	sld [smem:$0x3FA9];
	_ =	sdelay $0x3  }
0x37: {  	[smem:$0x3FA9] =	sst s10  }
0x38: {  	s10 =	sld [smem:$0x3FAA]  }
0x39: {  	_ = 	snop;
	(pc) =	sbr.ind lr, $3  }
0x3a: {  	_ = 	snop  }
0x3b: {  	_ = 	snop  }
0x3c: {  	p2 =	seq.s32 s10, $0x1;
	s10 =	sld [smem:$0x3FA9]  }
0x3d: {  	_ =	shalt  }
0x3e: {  	_ =	shalt  }
0x3f: {  	_ =	shalt  }
0x40: {  	_ =	shalt  }
0x41: {  	_ =	shalt  }
0x42: {  	_ =	shalt  }
0x43: {  	_ =	shalt  }
0x44: {  	_ =	shalt  }
0x45: {  	_ =	shalt  }
0x46: {  	_ =	shalt  }
0x47: {  	_ =	shalt  }
0x48: {  	_ =	shalt  }
0x49: {  	_ =	shalt  }
0x4a: {  	_ =	shalt  }
0x4b: {  	_ =	shalt  }
0x4c: {  	_ =	shalt  }
0x4d: {  	_ =	shalt  }
0x4e: {  	_ =	shalt  }
0x4f: {  	_ =	shalt  }
0x50: {  	_ =	shalt  }
0x51: {  	_ =	shalt  }
0x52: {  	_ =	shalt  }
0x53: {  	_ =	shalt  }
0x54: {  	_ =	shalt  }
0x55: {  	_ =	shalt  }
0x56: {  	_ =	shalt  }
0x57: {  	_ =	shalt  }
0x58: {  	_ =	shalt  }
0x59: {  	_ =	shalt  }
0x5a: {  	_ =	shalt  }
0x5b: {  	_ =	shalt  }
0x5c: {  	_ =	shalt  }
0x5d: {  	_ =	shalt  }
0x5e: {  	_ =	shalt  }
0x5f: {  	_ =	shalt  }
0x60: {  	_ =	shalt  }
0x61: {  	_ =	shalt  }
0x62: {  	_ =	shalt  }
0x63: {  	_ =	shalt  }
0x64: {  	_ =	shalt  }
0x65: {  	_ =	shalt  }
0x66: {  	_ =	shalt  }
0x67: {  	_ =	shalt  }
0x68: {  	_ =	shalt  }
0x69: {  	_ =	shalt  }
0x6a: {  	_ =	shalt  }
0x6b: {  	_ =	shalt  }
0x6c: {  	_ =	shalt  }
0x6d: {  	_ =	shalt  }
0x6e: {  	_ =	shalt  }
0x6f: {  	_ =	shalt  }
0x70: {  	_ =	shalt  }
0x71: {  	_ =	shalt  }
0x72: {  	_ =	shalt  }
0x73: {  	_ =	shalt  }
0x74: {  	_ =	shalt  }
0x75: {  	_ =	shalt  }
0x76: {  	_ =	shalt  }
0x77: {  	_ =	shalt  }
0x78: {  	_ =	shalt  }
0x79: {  	_ =	shalt  }
0x7a: {  	_ =	shalt  }
0x7b: {  	_ =	shalt  }
0x7c: {  	_ =	shalt  }
0x7d: {  	_ =	shalt  }
0x7e: {  	_ =	shalt  }
0x7f: {  	_ =	shalt  }
0x80: {  	_ =	shalt  }
0x81: {  	_ =	shalt  }
0x82: {  	_ =	shalt  }
0x83: {  	_ =	shalt  }
0x84: {  	_ =	shalt  }
0x85: {  	_ =	shalt  }
0x86: {  	_ =	shalt  }
0x87: {  	_ =	shalt  }
.Lfunc_end0:
.L_simem_size_0:
called_computation_lowered:
.L_overlay_start_0:
0x88: {  	s2 =	sld [smem:$0x3FD9]  }
0x89: {  	s3 =	sld [smem:$0x3FFE];
	_ =	sdelay $0x1  }
0x8a: {  	s1 =	srdreg.scid  }
0x8b: {  	s0 =	sand.u32 $0x1, s1  }
0x8c: {  	s16 =	sshll.u32 s0, $0xA;
	s2 =	sadd.s32 s3, s2  }
0x8d: {  	s2 =	sadd.s32 s2, s16  }
0x8e: {  	[smem:$0x3FB5] =	sst s2  }
0x8f: {  	_ = 	snop  }
0x90: {  	(tm) =	ssettm $0x1  }
0x91: {  	s17 =	sld [smem:$0x3FFB];
	_ =	sdelay $0x3  }
0x92: {  	_ =	strace s17  }
0x93: {  	s2 =	sld [smem:$0x3FFC];
	_ =	sdelay $0x3  }
0x94: {  	_ =	strace s2  }
0x95: {  	s2 =	sld [smem:$0x3FFD];
	_ =	sdelay $0x3  }
0x96: {  	_ =	strace s2  }
0x97: {  	_ =	strace $0x8FFFFFFF  }
0x98: {  	s18 =	sld [smem:$0x3FDB];
	_ =	sdelay $0x1  }
0x99: {  	s19 =	simm.s32 $_scs_section_size  }
0x9a: {  	s4 =	simm.s32 $_size__tile_overlayer_lowered;
	s5 =	simm.s32 $_tile_overlayer_lowered  }
0x9b: {  	s22 =	simm.s32 $0x1BFF;
	s21 =	sshll.u32 s5, $0x1;
	s2 =	sadd.s32 s19, s18  }
0x9c: {  	s6 =	simm.s32 $0x0;
	s20 =	sshll.u32 s4, $0x1;
	s4 =	sadd.s32 s21, s2  }
0x9d: {  	[timem:s6], [sflag:s22] =	dma.local [hbm:s4], s20  }
0x9e: {  	_ =	swait.ge [sflag:s22], s20  }
0x9f: {  	s3 =	ssub.s32 $0x0, s20;
	[sflag:s22] =	ssyncset.done $0x0  }
0xa0: {  	[sflag:s22] =	ssyncadd.s32 s3;
	_ =	sdelay $0x1  }
0xa1: {  	s23 =	simm.s32 $0x1B8B  }
0xa2: {  	_ =	swait.ge [sflag:s23], $0x1  }
0xa3: {  	[sflag:s23] =	ssyncset.done $0x0  }
0xa4: {  	s25 =	simm.s32 $0x1B8E;
	s24 =	sld [smem:$0x3FFE];
	[sflag:s23] =	ssyncadd.s32 $0xFFFFFFFF  }
0xa5: {  	s26 =	simm.s32 $execute0_lowered;
	[smem:$0x3FD2] =	sst s25  }
0xa6: {  	s4 =	sshll.u32 s26, $0x1;
	_ =	strace $0x80000046;
	[dreg:$0x1] =	wrdreg $0xFFFFFFFF  }
0xa7: {  	s28 =	simm.s32 $_size_execute0_lowered;
	s2 =	sadd.s32 s2, s4;
	[dreg:$0x0] =	wrdreg $0x0  }
0xa8: {  	s4 =	sshll.u32 s28, $0x1;
	[dreg:$0x2] =	wrdreg s2  }
0xa9: {  	[dreg:$0x3] =	wrdreg s4  }
0xaa: {  	[dreg:$0x4] =	wrdreg $0xC0  }
0xab: {  	_ =	task [dreg:s6], $0x5FFFF  }
0xac: {  	[dreg:$0x1] =	wrdreg $0xFFFFFFFF  }
0xad: {  	[dreg:$0x0] =	wrdreg $0x60  }
0xae: {  	[dreg:$0x2] =	wrdreg s24  }
0xaf: {  	[dreg:$0x3] =	wrdreg $0x9  }
0xb0: {  	_ =	task.clear_ibuf [dreg:s6], $0x4FFFF;
	_ =	strace $0x90000046  }
0xb1: {  	s29 =	simm.s32 $0x9;
	_ =	strace $0x80000048  }
0xb2: {  	_ =	swait.ge [sflag:s29], $0x1  }
0xb3: {  	[sflag:s29] =	ssyncadd.s32 $0xFFFFFFFF  }
0xb4: {  	_ =	strace $0x90000048  }
0xb5: {  	_ =	sfence  }
0xb6: {  	s30 =	sld [smem:$0x0];
	_ =	sdelay $0x2  }
0xb7: {  	s31 =	sshll.u32 s1, $0xD;
	s1 =	sshrl.u32 s1, $0x2  }
0xb8: {  	s3 =	sand.u32 $0x4000, s31;
	s1 =	sadd.s32 s1, s30  }
0xb9: {  	s0 =	sor.u32 s3, s0;
	s1 =	sshll.u32 s1, $0x11  }
0xba: {  	s0 =	sor.u32 s1, s0  }
0xbb: {  	s0 =	sadd.s32 $0x8F2B, s0  }
0xbc: {  	[sflag:s0] =	ssyncadd.remote.s32 $0x1  }
0xbd: {  	_ =	sfence.sel $0xFFFF  }
0xbe: {  	[dreg:$0x0] =	wrdreg $0xFFFFFFFF;
	(pc) =	sbr.abs _section_cstart, $3  }
0xbf: {  	[dreg:$0x1] =	wrdreg $0xFFFFFFFF  }
0xc0: {  	_ =	task.clear_ibuf [dreg:s6], $0x2FFFF;
	_ =	strace $0x9FFFFFFF  }
0xc1: {  	(tm) =	ssettm $0x7FFFFFFF  }
tec
execute0_lowered:
.L_overlay_start_1:
0x0: {  	(tag) =	ssettag $0x1  }
0x1: {  	s1 =	srdreg.scid  }
0x2: {  	s0 =	stileid.u32;
	s1 =	sand.u32 $0x1, s1  }
0x3: {  	s2 =	sshll.u32 s0, $0xC;
	s3 =	sshll.u32 s1, $0xB  }
0x4: {  	s4 =	rddreg [dreg:$0x0];
	s3 =	sor.u32 s3, s2;
	s2 =	simm.s32 $0x0  }
0x5: {  	s17 =	simm.s32 $0x1000;
	[smem:$0x7FF] =	sst s2  }
0x6: {  	s18 =	simm.s32 $0x100;
	_ =	strace $0x80000047;
	[dreg:$0x4] =	wrdreg s17  }
0x7: {  	s19 =	simm.s32 $0x1800;
	[dreg:$0x5] =	wrdreg s18  }
0x8: {  	s20 =	simm.s32 $0x180;
	s21 =	simm.s32 $0x2000;
	[dreg:$0x6] =	wrdreg s19  }
0x9: {  	s6 =	simm.s32 $0x200;
	s5 =	sshrl.u32 s3, $0x3;
	[dreg:$0x7] =	wrdreg s20  }
0xa: {  	s3 =	sshll.u32 s3, $0x1;
	s5 =	sadd.s32 s5, s4;
	[dreg:$0x8] =	wrdreg s21  }
0xb: {  	s3 =	sadd.s32 s3, s4;
	[dreg:$0x9] =	wrdreg s6;
	s5 =	sadd.s32 $0x3200, s5  }
0xc: {  	s3 =	sadd.s32 $0x9200, s3;
	[dreg:$0x2] =	wrdreg s5  }
0xd: {  	[dreg:$0x3] =	wrdreg s3  }
0xe: {  	s3 =	simm.s32 $0x2;
	s5 =	rddreg [dreg:$0x2]  }
0xf: {  	[tilespmem:s2], [sflag:$0x2] =	stream.linear.gather [hbm4b:s5+s2], $0x800, $0x38;
	[tilespmem:$0x8800] =	vst v63  }
0x10: {  	_ =	swait.ge [sflag:s3], $0x800  }
0x11: {  	s7 =	simm.s32 $0x1;
	s4 =	sadd.s32 $0x5200, s4;
	[sflag:s3] =	ssyncset.done $0x0  }
0x12: {  	s6 =	simm.s32 $0x800;
	s5 =	simm.s32 $0x80;
	[sflag:s3] =	ssyncadd.s32 $0xFFFFF800  }
0x13: {  	[tilespmem:s6], [sflag:$0x1] =	stream.indirect.gather [hbm4b:s4+s5], $0x10, s2, s5, $0xb8;
	[tilespmem:$0x8800] =	vst v63  }
0x14: {  	_ =	swait.ge [sflag:s7], $0x800  }
0x15: {  	[sflag:s7] =	ssyncset.done $0x0  }
0x16: {  	s8 =	rddreg [dreg:$0x4];
	[sflag:s7] =	ssyncadd.s32 $0xFFFFF800  }
0x17: {  	[tilespmem:s8], [sflag:$0x1] =	stream.indirect.gather [hbm4b:s4+s5], $0x10, s5, s5, $0xb8;
	[tilespmem:$0x8800] =	vst v63  }
0x18: {  	_ =	swait.ge [sflag:s7], $0x800  }
0x19: {  	s22 =	rddreg [dreg:$0x6];
	[sflag:s7] =	ssyncset.done $0x0  }
0x1a: {  	s9 =	rddreg [dreg:$0x5];
	[sflag:s7] =	ssyncadd.s32 $0xFFFFF800  }
0x1b: {  	[tilespmem:s22], [sflag:$0x1] =	stream.indirect.gather [hbm4b:s4+s5], $0x10, s9, s5, $0xb8;
	[tilespmem:$0x8800] =	vst v63  }
0x1c: {  	_ =	swait.ge [sflag:s7], $0x800  }
0x1d: {  	s23 =	rddreg [dreg:$0x7];
	[sflag:s7] =	ssyncset.done $0x0  }
0x1e: {  	s24 =	rddreg [dreg:$0x8];
	[sflag:s7] =	ssyncadd.s32 $0xFFFFF800  }
0x1f: {  	[tilespmem:s24], [sflag:$0x1] =	stream.indirect.gather [hbm4b:s4+s5], $0x10, s23, s5, $0xb8;
	[tilespmem:$0x8800] =	vst v63  }
0x20: {  	_ =	swait.ge [sflag:s7], $0x800  }
0x21: {  	[sflag:s7] =	ssyncset.done $0x0  }
0x22: {  	s26 =	simm.s32 $0x2800;
	s25 =	rddreg [dreg:$0x9];
	[sflag:s7] =	ssyncadd.s32 $0xFFFFF800  }
0x23: {  	[tilespmem:s26], [sflag:$0x1] =	stream.indirect.gather [hbm4b:s4+s5], $0x10, s25, s5, $0xb8;
	[tilespmem:$0x8800] =	vst v63  }
0x24: {  	_ =	swait.ge [sflag:s7], $0x800  }
0x25: {  	[sflag:s7] =	ssyncset.done $0x0  }
0x26: {  	s10 =	simm.s32 $0x3000;
	s9 =	simm.s32 $0x280;
	[sflag:s7] =	ssyncadd.s32 $0xFFFFF800  }
0x27: {  	[tilespmem:s10], [sflag:$0x1] =	stream.indirect.gather [hbm4b:s4+s5], $0x10, s9, s5, $0xb8;
	[tilespmem:$0x8800] =	vst v63  }
0x28: {  	_ =	swait.ge [sflag:s7], $0x800  }
0x29: {  	[sflag:s7] =	ssyncset.done $0x0  }
0x2a: {  	s11 =	simm.s32 $0x300;
	s12 =	simm.s32 $0x3800;
	[sflag:s7] =	ssyncadd.s32 $0xFFFFF800  }
0x2b: {  	[tilespmem:s12], [sflag:$0x1] =	stream.indirect.gather [hbm4b:s4+s5], $0x10, s11, s5, $0xb8;
	[tilespmem:$0x8800] =	vst v63  }
0x2c: {  	_ =	swait.ge [sflag:s7], $0x800  }
0x2d: {  	[sflag:s7] =	ssyncset.done $0x0  }
0x2e: {  	s13 =	simm.s32 $0x380;
	s14 =	simm.s32 $0x4000;
	[sflag:s7] =	ssyncadd.s32 $0xFFFFF800  }
0x2f: {  	[tilespmem:s14], [sflag:$0x1] =	stream.indirect.gather [hbm4b:s4+s5], $0x10, s13, s5, $0xb8;
	[tilespmem:$0x8800] =	vst v63  }
0x30: {  	_ =	swait.ge [sflag:s7], $0x800  }
0x31: {  	[sflag:s7] =	ssyncset.done $0x0  }
0x32: {  	s15 =	simm.s32 $0x400;
	s16 =	simm.s32 $0x4800;
	[sflag:s7] =	ssyncadd.s32 $0xFFFFF800  }
0x33: {  	[tilespmem:s16], [sflag:$0x1] =	stream.indirect.gather [hbm4b:s4+s5], $0x10, s15, s5, $0xb8;
	[tilespmem:$0x8800] =	vst v63  }
0x34: {  	_ =	swait.ge [sflag:s7], $0x800  }
0x35: {  	[sflag:s7] =	ssyncset.done $0x0  }
0x36: {  	s17 =	simm.s32 $0x480;
	s18 =	simm.s32 $0x5000;
	[sflag:s7] =	ssyncadd.s32 $0xFFFFF800  }
0x37: {  	[tilespmem:s18], [sflag:$0x1] =	stream.indirect.gather [hbm4b:s4+s5], $0x10, s17, s5, $0xb8;
	[tilespmem:$0x8800] =	vst v63  }
0x38: {  	_ =	swait.ge [sflag:s7], $0x800  }
0x39: {  	[sflag:s7] =	ssyncset.done $0x0  }
0x3a: {  	s19 =	simm.s32 $0x500;
	s20 =	simm.s32 $0x5800;
	[sflag:s7] =	ssyncadd.s32 $0xFFFFF800  }
0x3b: {  	[tilespmem:s20], [sflag:$0x1] =	stream.indirect.gather [hbm4b:s4+s5], $0x10, s19, s5, $0xb8;
	[tilespmem:$0x8800] =	vst v63  }
0x3c: {  	_ =	swait.ge [sflag:s7], $0x800  }
0x3d: {  	[sflag:s7] =	ssyncset.done $0x0  }
0x3e: {  	s21 =	simm.s32 $0x580;
	s22 =	simm.s32 $0x6000;
	[sflag:s7] =	ssyncadd.s32 $0xFFFFF800  }
0x3f: {  	[tilespmem:s22], [sflag:$0x1] =	stream.indirect.gather [hbm4b:s4+s5], $0x10, s21, s5, $0xb8;
	[tilespmem:$0x8800] =	vst v63  }
0x40: {  	_ =	swait.ge [sflag:s7], $0x800  }
0x41: {  	[sflag:s7] =	ssyncset.done $0x0  }
0x42: {  	s23 =	simm.s32 $0x600;
	s24 =	simm.s32 $0x6800;
	[sflag:s7] =	ssyncadd.s32 $0xFFFFF800  }
0x43: {  	[tilespmem:s24], [sflag:$0x1] =	stream.indirect.gather [hbm4b:s4+s5], $0x10, s23, s5, $0xb8;
	[tilespmem:$0x8800] =	vst v63  }
0x44: {  	_ =	swait.ge [sflag:s7], $0x800  }
0x45: {  	[sflag:s7] =	ssyncset.done $0x0  }
0x46: {  	s25 =	simm.s32 $0x680;
	s26 =	simm.s32 $0x7000;
	[sflag:s7] =	ssyncadd.s32 $0xFFFFF800  }
0x47: {  	[tilespmem:s26], [sflag:$0x1] =	stream.indirect.gather [hbm4b:s4+s5], $0x10, s25, s5, $0xb8;
	[tilespmem:$0x8800] =	vst v63  }
0x48: {  	_ =	swait.ge [sflag:s7], $0x800  }
0x49: {  	s28 =	simm.s32 $0x700;
	s1 =	ssub.s32 $0x2, s1;
	[sflag:s7] =	ssyncset.done $0x0  }
0x4a: {  	s29 =	simm.s32 $0x7800;
	s0 =	sshrl.u32 s1, $0x1;
	[sflag:s7] =	ssyncadd.s32 $0xFFFFF800  }
0x4b: {  	[tilespmem:s29], [sflag:$0x1] =	stream.indirect.gather [hbm4b:s4+s5], $0x10, s28, s5, $0xb8;
	[tilespmem:$0x8800] =	vst v63  }
0x4c: {  	s0 =	ssub.s32 s1, s0;
	_ =	swait.ge [sflag:s7], $0x800  }
0x4d: {  	s30 =	simm.s32 $0x780;
	s0 =	smax.u32 s0, $0x1;
	[sflag:s7] =	ssyncset.done $0x0  }
0x4e: {  	s31 =	simm.s32 $0x8000;
	p0 =	sne.s32 s0, $0x1;
	[sflag:s7] =	ssyncadd.s32 $0xFFFFF800  }
0x4f: {  	[tilespmem:s31], [sflag:$0x1] =	stream.indirect.gather [hbm4b:s4+s5], $0x10, s30, s5, $0xb8;
	[tilespmem:$0x8800] =	vst v63  }
.Ltmp0:
0x50: {  	_ =	swait.ge [sflag:s7], $0x800;
	(pc) =	sbr.rel @!p0 .LBB2_2-.Ltmp0, $4  }
0x51: {  	[sflag:s7] =	ssyncset.done $0x0  }
0x52: {  	s8 =	rddreg [dreg:$0x3];
	[sflag:s7] =	ssyncadd.s32 $0xFFFFF800  }
0x53: {  	[hbm4b:s8+s2] =	stream.linear.scatter [tilespmem:s6], [sflag:$0x2], $0x8000, $0x38;
	[tilespmem:$0x8800] =	vst v63  }
0x54: {  	s1 =	sadd.s32 $0xFFFFFFFF, s0;
	_ =	swait.ge [sflag:s3], $0x8000  }
.LBB2_1:
0x55: {  	[sflag:s3] =	ssyncset.done $0x0  }
0x56: {  	s0 =	rddreg [dreg:$0x2];
	[sflag:s3] =	ssyncadd.s32 $0xFFFF8000  }
0x57: {  	[tilespmem:s2], [sflag:$0x2] =	stream.linear.gather [hbm4b:s0+s2], $0x800, $0x38;
	[tilespmem:$0x8800] =	vst v63  }
0x58: {  	_ =	swait.ge [sflag:s3], $0x800  }
0x59: {  	[sflag:s3] =	ssyncset.done $0x0  }
0x5a: {  	[sflag:s3] =	ssyncadd.s32 $0xFFFFF800  }
0x5b: {  	[tilespmem:s6], [sflag:$0x1] =	stream.indirect.gather [hbm4b:s4+s5], $0x10, s2, s5, $0xb8;
	[tilespmem:$0x8800] =	vst v63  }
0x5c: {  	_ =	swait.ge [sflag:s7], $0x800  }
0x5d: {  	[sflag:s7] =	ssyncset.done $0x0  }
0x5e: {  	s8 =	rddreg [dreg:$0x4];
	[sflag:s7] =	ssyncadd.s32 $0xFFFFF800  }
0x5f: {  	[tilespmem:s8], [sflag:$0x1] =	stream.indirect.gather [hbm4b:s4+s5], $0x10, s5, s5, $0xb8;
	[tilespmem:$0x8800] =	vst v63  }
0x60: {  	_ =	swait.ge [sflag:s7], $0x800  }
0x61: {  	s0 =	rddreg [dreg:$0x6];
	[sflag:s7] =	ssyncset.done $0x0  }
0x62: {  	s8 =	rddreg [dreg:$0x5];
	[sflag:s7] =	ssyncadd.s32 $0xFFFFF800  }
0x63: {  	[tilespmem:s0], [sflag:$0x1] =	stream.indirect.gather [hbm4b:s4+s5], $0x10, s8, s5, $0xb8;
	[tilespmem:$0x8800] =	vst v63  }
0x64: {  	_ =	swait.ge [sflag:s7], $0x800  }
0x65: {  	[sflag:s7] =	ssyncset.done $0x0;
	s0 =	rddreg [dreg:$0x7]  }
0x66: {  	s8 =	rddreg [dreg:$0x8];
	[sflag:s7] =	ssyncadd.s32 $0xFFFFF800  }
0x67: {  	[tilespmem:s8], [sflag:$0x1] =	stream.indirect.gather [hbm4b:s4+s5], $0x10, s0, s5, $0xb8;
	[tilespmem:$0x8800] =	vst v63  }
0x68: {  	_ =	swait.ge [sflag:s7], $0x800  }
0x69: {  	[sflag:s7] =	ssyncset.done $0x0  }
0x6a: {  	s8 =	simm.s32 $0x2800;
	s0 =	rddreg [dreg:$0x9];
	[sflag:s7] =	ssyncadd.s32 $0xFFFFF800  }
0x6b: {  	[tilespmem:s8], [sflag:$0x1] =	stream.indirect.gather [hbm4b:s4+s5], $0x10, s0, s5, $0xb8;
	[tilespmem:$0x8800] =	vst v63  }
0x6c: {  	_ =	swait.ge [sflag:s7], $0x800  }
0x6d: {  	[sflag:s7] =	ssyncset.done $0x0  }
0x6e: {  	[sflag:s7] =	ssyncadd.s32 $0xFFFFF800  }
0x6f: {  	[tilespmem:s10], [sflag:$0x1] =	stream.indirect.gather [hbm4b:s4+s5], $0x10, s9, s5, $0xb8;
	[tilespmem:$0x8800] =	vst v63  }
0x70: {  	_ =	swait.ge [sflag:s7], $0x800  }
0x71: {  	[sflag:s7] =	ssyncset.done $0x0  }
0x72: {  	[sflag:s7] =	ssyncadd.s32 $0xFFFFF800  }
0x73: {  	[tilespmem:s12], [sflag:$0x1] =	stream.indirect.gather [hbm4b:s4+s5], $0x10, s11, s5, $0xb8;
	[tilespmem:$0x8800] =	vst v63  }
0x74: {  	_ =	swait.ge [sflag:s7], $0x800  }
0x75: {  	[sflag:s7] =	ssyncset.done $0x0  }
0x76: {  	[sflag:s7] =	ssyncadd.s32 $0xFFFFF800  }
0x77: {  	[tilespmem:s14], [sflag:$0x1] =	stream.indirect.gather [hbm4b:s4+s5], $0x10, s13, s5, $0xb8;
	[tilespmem:$0x8800] =	vst v63  }
0x78: {  	_ =	swait.ge [sflag:s7], $0x800  }
0x79: {  	[sflag:s7] =	ssyncset.done $0x0  }
0x7a: {  	[sflag:s7] =	ssyncadd.s32 $0xFFFFF800  }
0x7b: {  	[tilespmem:s16], [sflag:$0x1] =	stream.indirect.gather [hbm4b:s4+s5], $0x10, s15, s5, $0xb8;
	[tilespmem:$0x8800] =	vst v63  }
0x7c: {  	_ =	swait.ge [sflag:s7], $0x800  }
0x7d: {  	[sflag:s7] =	ssyncset.done $0x0  }
0x7e: {  	[sflag:s7] =	ssyncadd.s32 $0xFFFFF800  }
0x7f: {  	[tilespmem:s18], [sflag:$0x1] =	stream.indirect.gather [hbm4b:s4+s5], $0x10, s17, s5, $0xb8;
	[tilespmem:$0x8800] =	vst v63  }
0x80: {  	_ =	swait.ge [sflag:s7], $0x800  }
0x81: {  	[sflag:s7] =	ssyncset.done $0x0  }
0x82: {  	[sflag:s7] =	ssyncadd.s32 $0xFFFFF800  }
0x83: {  	[tilespmem:s20], [sflag:$0x1] =	stream.indirect.gather [hbm4b:s4+s5], $0x10, s19, s5, $0xb8;
	[tilespmem:$0x8800] =	vst v63  }
0x84: {  	_ =	swait.ge [sflag:s7], $0x800  }
0x85: {  	[sflag:s7] =	ssyncset.done $0x0  }
0x86: {  	[sflag:s7] =	ssyncadd.s32 $0xFFFFF800  }
0x87: {  	[tilespmem:s22], [sflag:$0x1] =	stream.indirect.gather [hbm4b:s4+s5], $0x10, s21, s5, $0xb8;
	[tilespmem:$0x8800] =	vst v63  }
0x88: {  	_ =	swait.ge [sflag:s7], $0x800  }
0x89: {  	[sflag:s7] =	ssyncset.done $0x0  }
0x8a: {  	[sflag:s7] =	ssyncadd.s32 $0xFFFFF800  }
0x8b: {  	[tilespmem:s24], [sflag:$0x1] =	stream.indirect.gather [hbm4b:s4+s5], $0x10, s23, s5, $0xb8;
	[tilespmem:$0x8800] =	vst v63  }
0x8c: {  	_ =	swait.ge [sflag:s7], $0x800  }
0x8d: {  	[sflag:s7] =	ssyncset.done $0x0  }
0x8e: {  	[sflag:s7] =	ssyncadd.s32 $0xFFFFF800  }
0x8f: {  	[tilespmem:s26], [sflag:$0x1] =	stream.indirect.gather [hbm4b:s4+s5], $0x10, s25, s5, $0xb8;
	[tilespmem:$0x8800] =	vst v63  }
0x90: {  	_ =	swait.ge [sflag:s7], $0x800  }
0x91: {  	[sflag:s7] =	ssyncset.done $0x0  }
0x92: {  	[sflag:s7] =	ssyncadd.s32 $0xFFFFF800  }
0x93: {  	[tilespmem:s29], [sflag:$0x1] =	stream.indirect.gather [hbm4b:s4+s5], $0x10, s28, s5, $0xb8;
	[tilespmem:$0x8800] =	vst v63  }
0x94: {  	_ =	swait.ge [sflag:s7], $0x800  }
0x95: {  	[sflag:s7] =	ssyncset.done $0x0  }
0x96: {  	p0 =	sne.s32 s1, $0x1;
	[sflag:s7] =	ssyncadd.s32 $0xFFFFF800  }
0x97: {  	[tilespmem:s31], [sflag:$0x1] =	stream.indirect.gather [hbm4b:s4+s5], $0x10, s30, s5, $0xb8;
	[tilespmem:$0x8800] =	vst v63  }
.Ltmp1:
0x98: {  	_ =	swait.ge [sflag:s7], $0x800;
	(pc) =	sbr.rel @p0 .LBB2_1-.Ltmp1, $4  }
0x99: {  	[sflag:s7] =	ssyncset.done $0x0  }
0x9a: {  	s8 =	rddreg [dreg:$0x3];
	[sflag:s7] =	ssyncadd.s32 $0xFFFFF800  }
0x9b: {  	[hbm4b:s8+s2] =	stream.linear.scatter [tilespmem:s6], [sflag:$0x2], $0x8000, $0x38;
	[tilespmem:$0x8800] =	vst v63  }
0x9c: {  	s1 =	sadd.s32 $0xFFFFFFFF, s1;
	_ =	swait.ge [sflag:s3], $0x8000  }
.LBB2_2:
0x9d: {  	[sflag:s3] =	ssyncset.done $0x0  }
0x9e: {  	[sflag:s3] =	ssyncadd.s32 $0xFFFF8000  }
0x9f: {  	_ =	sfence.sel $0x180000  }
0xa0: {  	[bflag:$0x0] =	sbarrier.arrive $0xFFFF  }
0xa1: {  	_ =	strace $0x90000047  }
0xa2: {  	s0 =	stileid.u32;
	[bflag:$0x2] =	sbarrier.arrive $0xFFFF  }
0xa3: {  	p0 =	sne.s32 s0, $0x0;
	s0 =	rddreg [dreg:$0x1]  }
0xa4: {  	s0 =	sadd.s32 @!p0 $0x100000, s0  }
0xa5: {  	[sflag:s0] =	ssyncadd.tile.s32 @!p0 $0x1;
	_ =	shalt  }
.Lfunc_end2:
_tile_overlayer_lowered:
.L_overlay_start_2:
0xa6: {  	(tag) =	ssettag $0x2  }
0xa7: {  	s0 =	rddreg [dreg:$0x0];
	s2 =	stileid.u32  }
0xa8: {  	s1 =	rddreg [dreg:$0x1];
	p0 =	sne.s32 s2, $0x0  }
0xa9: {  	s3 =	rddreg [dreg:$0x2];
	[bflag:$0x3] =	sbarrier.arrive $0xFFFF;
	s2 =	simm.s32 @!p0 $0x1C02  }
0xaa: {  	[timem:s3], [sflag:s2] =	dma.local @!p0 [hbm:s0], s1  }
0xab: {  	s0 =	simm.s32 @!p0 $0x2  }
0xac: {  	_ =	swait.ge @!p0 [sflag:s0], s1  }
0xad: {  	s1 =	ssub.s32 @!p0 $0x0, s1;
	[sflag:s0] =	ssyncset.done @!p0 $0x0  }
0xae: {  	[sflag:s0] =	ssyncadd.s32 @!p0 s1  }
0xaf: {  	[bflag:$0x3] =	sbarrier.arrive $0xFFFF  }
0xb0: {  	_ =	shalt  }

</sc_bundles>
